<compile_context>
chip_gen: v7x
topology: tpu7x:2x2x1
jax: 0.10.2.dev20260603
libtpu: 0.0.44.dev20260713+nightly
codegen_flags: <defaults>
</compile_context>

<pallas_src>
import functools

import jax
import jax.numpy as jnp
from jax import lax
from jax.experimental import pallas as pl
from jax.experimental.pallas import tpu as pltpu
from jax.experimental.pallas import tpu_sc as plsc

N = 10000
NP = 10240
E = 320000
D = 128
H = 6
NSLICE = 5
EPT = E // NSLICE
CH = 2560
NCH = EPT // CH
BC = 512


def _tc_tables(x_ref, u_ref, wg_ref, as_ref, ad_ref, w1_ref, w2_ref,
               b1_ref, b2_ref, bg_ref, o_ref):
    f32 = jnp.float32
    w12 = jnp.dot(w1_ref[...], w2_ref[...], preferred_element_type=f32)
    wu = w12[:D]
    wi = w12[D:]
    hid = lax.broadcasted_iota(jnp.int32, (H * D, H), 0) // D
    cid = lax.broadcasted_iota(jnp.int32, (H * D, H), 1)
    m = hid == cid
    wi_t = jnp.concatenate([wi] * H, axis=0)
    B = jnp.concatenate([
        jnp.where(m, as_ref[...], 0.0),
        jnp.where(m, wi_t, 0.0),
        jnp.where(m, ad_ref[...], 0.0),
    ], axis=1)
    V = jnp.dot(wg_ref[...], B, preferred_element_type=f32)
    a = lax.dot_general(V, x_ref[...], (((0,), (1,)), ((), ())),
                        preferred_element_type=f32)
    cc = (jnp.dot(b1_ref[...], w2_ref[...])[0, 0] + b2_ref[0, 0]
          + jnp.dot(bg_ref[...], wi)[0, 0])
    b = lax.dot_general(wu, u_ref[...], (((0,), (1,)), ((), ())),
                        preferred_element_type=f32) + cc
    s16 = lax.bitcast_convert_type(a[0:H].astype(jnp.bfloat16), jnp.uint16)
    q16 = lax.bitcast_convert_type(a[H:2 * H].astype(jnp.bfloat16), jnp.uint16)
    packed = lax.bitcast_convert_type(
        (s16.astype(jnp.uint32) << 16) | q16.astype(jnp.uint32), f32)
    o_ref[...] = jnp.concatenate(
        [packed, a[2 * H:3 * H], b,
         jnp.zeros((32 - 2 * H - 1, a.shape[1]), f32)], axis=0)


def _sc_edges(tt_hbm, item_hbm, user_hbm, gflat_hbm, p_hbm, su_hbm,
              item_v, tb_as, tb_ad, asn, adn, num, den,
              se_s, se_d, ubuf, subuf, sem_t, sem_e):
    c = lax.axis_index("c")
    s = lax.axis_index("s")
    w = s * 2 + c
    head = w // NSLICE
    j = w - head * NSLICE

    d_item = pltpu.async_copy(item_hbm, item_v, sem_t)

    @pl.when(w < H * NSLICE)
    def _edge_work():
        d_as = pltpu.async_copy(tt_hbm.at[head], tb_as, sem_t)
        d_ad = pltpu.async_copy(tt_hbm.at[H + head], tb_ad, sem_t)
        ebase = j * EPT
        pltpu.async_copy(gflat_hbm.at[pl.ds(ebase, CH)],
                         se_s.at[pl.ds(0, CH)], sem_e)
        pltpu.async_copy(gflat_hbm.at[pl.ds(E + ebase, CH)],
                         se_d.at[pl.ds(0, CH)], sem_e)
        d_item.wait()
        d_as.wait()
        d_ad.wait()

        @plsc.parallel_loop(0, N // 16, unroll=5)
        def g0(i):
            sl = pl.ds(i * 16, 16)
            idx = item_v[sl]
            z = jnp.zeros((16,), jnp.float32)
            asn[sl] = plsc.load_gather(tb_as, [idx])
            adn[sl] = plsc.load_gather(tb_ad, [idx])
            num[sl] = z
            den[sl] = z

        def chunk(k, _):
            b = lax.rem(k, 2)
            pltpu.make_async_copy(gflat_hbm.at[pl.ds(0, CH)],
                                  se_s.at[pl.ds(0, CH)], sem_e).wait()
            pltpu.make_async_copy(gflat_hbm.at[pl.ds(0, CH)],
                                  se_d.at[pl.ds(0, CH)], sem_e).wait()

            @pl.when(k + 1 < NCH)
            def _prefetch():
                b1 = lax.rem(k + 1, 2)
                off = ebase + (k + 1) * CH
                pltpu.async_copy(gflat_hbm.at[pl.ds(off, CH)],
                                 se_s.at[pl.ds(b1 * CH, CH)], sem_e)
                pltpu.async_copy(gflat_hbm.at[pl.ds(E + off, CH)],
                                 se_d.at[pl.ds(b1 * CH, CH)], sem_e)

            base = b * CH

            @plsc.parallel_loop(0, CH // 16, unroll=32)
            def inner(t):
                sl = pl.ds(base + t * 16, 16)
                sv = se_s[sl]
                dv = se_d[sl]
                g = plsc.load_gather(asn, [sv])
                u = plsc.bitcast(g, jnp.uint32)
                a_ = plsc.bitcast(u & jnp.uint32(0xFFFF0000), jnp.float32)
                q_ = plsc.bitcast(u << 16, jnp.float32)
                d_ = plsc.load_gather(adn, [dv])
                e = a_ + d_
                p = jnp.exp(jnp.maximum(e, 0.2 * e))
                plsc.addupdate_scatter(den, [dv], p)
                plsc.addupdate_scatter(num, [dv], p * q_)

            return 0

        lax.fori_loop(0, NCH, chunk, 0)
        pltpu.sync_copy(num, p_hbm.at[w, 0])
        pltpu.sync_copy(den, p_hbm.at[w, 1])

    @pl.when(w >= H * NSLICE)
    def _idle_wait():
        d_item.wait()

    pltpu.sync_copy(tt_hbm.at[2 * H], tb_as)
    pltpu.sync_copy(user_hbm.at[pl.ds(w * (NP // 32), NP // 32)], ubuf)

    @plsc.parallel_loop(0, NP // 32 // 16, unroll=4)
    def sgo(i):
        sl = pl.ds(i * 16, 16)
        subuf[sl] = plsc.load_gather(tb_as, [ubuf[sl]])

    pltpu.sync_copy(subuf, su_hbm.at[pl.ds(w * (NP // 32), NP // 32)])


def _tc_finish(p_ref, su_ref, o_ref):
    acc = jnp.zeros((1, BC), jnp.float32)
    for h in range(H):
        nm = p_ref[2 * (NSLICE * h):2 * (NSLICE * h) + 1, :]
        dn = p_ref[2 * (NSLICE * h) + 1:2 * (NSLICE * h) + 2, :]
        for j in range(1, NSLICE):
            r = 2 * (NSLICE * h + j)
            nm = nm + p_ref[r:r + 1, :]
            dn = dn + p_ref[r + 1:r + 2, :]
        acc = acc + nm / (dn + 1e-16)
    x = su_ref[0] + acc * (1.0 / H)
    o_ref[...] = (1.0 / (1.0 + jnp.exp(-x)))[None]


def kernel(user, item, graph, u_table, i_table, W_gat, a_src, a_dst, b_gat,
           W1, b1, W2, b2):
    f32 = jnp.float32
    user_p = jnp.pad(user, (0, NP - N))

    full = lambda shp: pl.BlockSpec(shp, lambda i: (0,) * len(shp))
    tt = pl.pallas_call(
        _tc_tables,
        grid=(1,),
        in_specs=[
            full((N, D)), full((N, D)), full((D, H * D)),
            full((H * D, 1)), full((H * D, 1)),
            full((2 * D, 64)), full((64, 1)),
            full((1, 64)), full((1, 1)), full((1, D)),
        ],
        out_specs=full((32, N)),
        out_shape=jax.ShapeDtypeStruct((32, N), f32),
    )(i_table, u_table, W_gat,
      a_src.reshape(H * D, 1), a_dst.reshape(H * D, 1),
      W1, W2, b1.reshape(1, 64), b2.reshape(1, 1), b_gat.reshape(1, D))

    mesh = plsc.VectorSubcoreMesh(core_axis_name="c", subcore_axis_name="s")
    sc = functools.partial(
        pl.kernel,
        out_type=[
            jax.ShapeDtypeStruct((H * NSLICE, 2, NP), f32),
            jax.ShapeDtypeStruct((NP,), f32),
        ],
        mesh=mesh,
        compiler_params=pltpu.CompilerParams(needs_layout_passes=False),
        scratch_types=[
            pltpu.VMEM((N,), jnp.int32),
            pltpu.VMEM((N,), f32),
            pltpu.VMEM((N,), f32),
            pltpu.VMEM((N,), f32),
            pltpu.VMEM((N,), f32),
            pltpu.VMEM((NP,), f32),
            pltpu.VMEM((NP,), f32),
            pltpu.VMEM((2 * CH,), jnp.int32),
            pltpu.VMEM((2 * CH,), jnp.int32),
            pltpu.VMEM((NP // 32,), jnp.int32),
            pltpu.VMEM((NP // 32,), f32),
            pltpu.SemaphoreType.DMA,
            pltpu.SemaphoreType.DMA,
        ],
    )(_sc_edges)
    partials, su = sc(tt, item, user_p, graph.reshape(2 * E))

    p2 = partials.reshape(2 * H * NSLICE, NP)
    out = pl.pallas_call(
        _tc_finish,
        grid=(NP // BC,),
        in_specs=[
            pl.BlockSpec((2 * H * NSLICE, BC), lambda i: (0, i)),
            pl.BlockSpec((1, 1, BC), lambda i: (i, 0, 0)),
        ],
        out_specs=pl.BlockSpec((1, 1, BC), lambda i: (i, 0, 0)),
        out_shape=jax.ShapeDtypeStruct((NP // BC, 1, BC), f32),
    )(p2, su.reshape(NP // BC, 1, BC))

    return out.reshape(NP)[:N].reshape(N, 1)

# --- scband reference (transcript-rebuilt; emitter-appended) ---
"""Pipeline reference for scband-model-8873402434274 (READ-ONLY COPY).

The authoritative reference and input builder live on the scoring server;
editing this copy changes nothing except your own understanding.
"""

import jax, jax.numpy as jnp
import numpy as np

N_NODES = 10000
E = 320000
D = 128
HEADS = 6


def setup_inputs(seed: int = 0) -> dict:
    key = jax.random.key(seed)
    ks = jax.random.split(key, 12)
    user = jax.random.randint(ks[0], (N_NODES,), 0, N_NODES, dtype=jnp.int32)
    item = jax.random.randint(ks[1], (N_NODES,), 0, N_NODES, dtype=jnp.int32)
    graph = jax.random.randint(ks[2], (2, E), 0, N_NODES, dtype=jnp.int32)
    u_table = jax.random.normal(ks[3], (N_NODES, D), dtype=jnp.float32) * 0.05
    i_table = jax.random.normal(ks[4], (N_NODES, D), dtype=jnp.float32) * 0.05
    s = 1.0 / np.sqrt(D)
    W_gat = jax.random.normal(ks[5], (D, HEADS * D), dtype=jnp.float32) * s
    a_src = jax.random.normal(ks[6], (HEADS, D), dtype=jnp.float32) * s
    a_dst = jax.random.normal(ks[7], (HEADS, D), dtype=jnp.float32) * s
    b_gat = jnp.zeros((D,), dtype=jnp.float32)
    W1 = jax.random.normal(ks[8], (2 * D, 64), dtype=jnp.float32) * (1.0 / np.sqrt(2 * D))
    b1 = jnp.zeros((64,), dtype=jnp.float32)
    W2 = jax.random.normal(ks[9], (64, 1), dtype=jnp.float32) * (1.0 / np.sqrt(64))
    b2 = jnp.zeros((1,), dtype=jnp.float32)
    return {"user": user, "item": item, "graph": graph,
            "u_table": u_table, "i_table": i_table,
            "W_gat": W_gat, "a_src": a_src, "a_dst": a_dst, "b_gat": b_gat,
            "W1": W1, "b1": b1, "W2": W2, "b2": b2}


def _gat_conv(x, graph, W, a_s, a_d, b):
    # PyG-style GATConv with concat=False (mean over heads)
    N = x.shape[0]
    h = (x @ W).reshape(N, HEADS, D)
    alpha_s = jnp.sum(h * a_s[None, :, :], axis=-1)  # [N, H]
    alpha_d = jnp.sum(h * a_d[None, :, :], axis=-1)  # [N, H]
    src = graph[0]
    dst = graph[1]
    e = jax.nn.leaky_relu(alpha_s[src] + alpha_d[dst], 0.2)  # [E, H]
    m = jax.ops.segment_max(e, dst, num_segments=N)
    m = jnp.where(jnp.isfinite(m), m, 0.0)
    p = jnp.exp(e - m[dst])
    denom = jax.ops.segment_sum(p, dst, num_segments=N) + 1e-16
    alpha = p / denom[dst]  # softmax over incoming edges per dst node
    msg = h[src] * alpha[:, :, None]  # [E, H, D]
    out = jax.ops.segment_sum(msg, dst, num_segments=N)  # [N, H, D]
    return out.mean(axis=1) + b


def reference(user, item, graph, u_table, i_table, W_gat, a_src, a_dst, b_gat, W1, b1, W2, b2):
    u_emb = jnp.take(u_table, user, axis=0)
    i_emb = jnp.take(i_table, item, axis=0)
    i_emb = _gat_conv(i_emb, graph, W_gat, a_src, a_dst, b_gat)
    out = jnp.concatenate([u_emb, i_emb], axis=1)
    out = out @ W1 + b1
    out = out @ W2 + b2
    return jax.nn.sigmoid(out)

if __name__ == "__main__":
    import jax
    _d = setup_inputs()
    print(jax.jit(kernel)(*tuple(_d.values())))

</pallas_src>

<mosaic_0001>
#map = affine_map<(d0, d1) -> (0, 0)>
#map1 = affine_map<(d0, d1) -> (0)>
#map2 = affine_map<(d0, d1) -> (0, 0, 0)>
module attributes {stable_mosaic.version = 14 : i64} {
  func.func @_sc_edges(%arg0: i32, %arg1: i32, %arg2: memref<32x10000xf32, #tpu.memory_space<hbm>>, %arg3: memref<10000xi32, #tpu.memory_space<hbm>>, %arg4: memref<10240xi32, #tpu.memory_space<hbm>>, %arg5: memref<640000xi32, #tpu.memory_space<hbm>>, %arg6: memref<30x2x10240xf32, #tpu.memory_space<hbm>>, %arg7: memref<10240xf32, #tpu.memory_space<hbm>>, %arg8: memref<10000xi32, #tpu.memory_space<vmem>>, %arg9: memref<10000xf32, #tpu.memory_space<vmem>>, %arg10: memref<10000xf32, #tpu.memory_space<vmem>>, %arg11: memref<10000xf32, #tpu.memory_space<vmem>>, %arg12: memref<10000xf32, #tpu.memory_space<vmem>>, %arg13: memref<10240xf32, #tpu.memory_space<vmem>>, %arg14: memref<10240xf32, #tpu.memory_space<vmem>>, %arg15: memref<5120xi32, #tpu.memory_space<vmem>>, %arg16: memref<5120xi32, #tpu.memory_space<vmem>>, %arg17: memref<320xi32, #tpu.memory_space<vmem>>, %arg18: memref<320xf32, #tpu.memory_space<vmem>>, %arg19: memref<!tpu.dma_semaphore, #tpu.memory_space<semaphore_mem>>, %arg20: memref<!tpu.dma_semaphore, #tpu.memory_space<semaphore_mem>>) attributes {dimension_semantics = [#tpu.dimension_semantics<core_parallel>, #tpu.dimension_semantics<subcore_parallel>], iteration_bounds = array<i64: 2, 16>, scalar_prefetch = 0 : i64, scratch_operands = 13 : i64, tpu.core_type = #tpu.core_type<sc_vector_subcore>, window_params = [{transform_indices = #map}, {transform_indices = #map1}, {transform_indices = #map1}, {transform_indices = #map1}, {transform_indices = #map2}, {transform_indices = #map1}]} {
    %mul3A = arith.constant 2 : i32
    %mul3A_0 = arith.muli %arg1, %mul3A : i32
    %add3A = arith.addi %mul3A_0, %arg0 : i32
    %jit3A = arith.constant 5 : i32
    %div3A = arith.divsi %add3A, %jit3A : i32
    %sign3A = arith.constant 0 : i32
    %sign3A_1 = arith.cmpi sgt, %add3A, %sign3A : i32
    %sign3A_2 = arith.extui %sign3A_1 : i1 to i32
    %sign3A_3 = arith.constant 0 : i32
    %sign3A_4 = arith.cmpi slt, %add3A, %sign3A_3 : i32
    %sign3A_5 = arith.extui %sign3A_4 : i1 to i32
    %sign3A_6 = arith.subi %sign3A_2, %sign3A_5 : i32
    %sign3A_7 = arith.constant 0 : i32
    %sign3A_8 = arith.cmpi sgt, %jit3A, %sign3A_7 : i32
    %sign3A_9 = arith.extui %sign3A_8 : i1 to i32
    %sign3A_10 = arith.constant 0 : i32
    %sign3A_11 = arith.cmpi slt, %jit3A, %sign3A_10 : i32
    %sign3A_12 = arith.extui %sign3A_11 : i1 to i32
    %sign3A_13 = arith.subi %sign3A_9, %sign3A_12 : i32
    %ne3A = arith.cmpi ne, %sign3A_6, %sign3A_13 : i32
    %rem3A = arith.remsi %add3A, %jit3A : i32
    %ne3A_14 = arith.constant 0 : i32
    %ne3A_15 = arith.cmpi ne, %rem3A, %ne3A_14 : i32
    %and3A = arith.andi %ne3A, %ne3A_15 : i1
    %sub3A = arith.constant 1 : i32
    %sub3A_16 = arith.subi %div3A, %sub3A : i32
    %select_n3A = arith.select %and3A, %sub3A_16, %div3A : i32
    %mul3A_17 = arith.constant 5 : i32
    %mul3A_18 = arith.muli %select_n3A, %mul3A_17 : i32
    %sub3A_19 = arith.subi %add3A, %mul3A_18 : i32
    tpu.enqueue_dma source(%arg3 : memref<10000xi32, #tpu.memory_space<hbm>>) target(%arg8 : memref<10000xi32, #tpu.memory_space<vmem>>) target_semaphore(%arg19 : memref<!tpu.dma_semaphore, #tpu.memory_space<semaphore_mem>>)
    %lt3A = arith.constant 30 : i32
    %lt3A_20 = arith.cmpi slt, %add3A, %lt3A : i32
    %convert_element_type3A = arith.extui %lt3A_20 : i1 to i32
    %cond3A = arith.constant 0 : i32
    %cond3A_21 = arith.cmpi ne, %convert_element_type3A, %cond3A : i32
    scf.if %cond3A_21 {
      %dma_start3A = arith.constant 0 : i32
      %dma_start3A_32 = tpu.memref_slice %arg2[%select_n3A, %dma_start3A] : memref<32x10000xf32, #tpu.memory_space<hbm>> -> memref<1x10000xf32, #tpu.memory_space<hbm>>
      %dma_start3A_33 = tpu.memref_squeeze %dma_start3A_32 : memref<1x10000xf32, #tpu.memory_space<hbm>> -> memref<10000xf32, #tpu.memory_space<hbm>>
      %dma_start3A_34 = arith.constant 0 : i32
      %dma_start3A_35 = tpu.memref_slice %arg2[%select_n3A, %dma_start3A_34] : memref<32x10000xf32, #tpu.memory_space<hbm>> -> memref<1x10000xf32, #tpu.memory_space<hbm>>
      %dma_start3A_36 = tpu.memref_squeeze %dma_start3A_35 : memref<1x10000xf32, #tpu.memory_space<hbm>> -> memref<10000xf32, #tpu.memory_space<hbm>>
      tpu.enqueue_dma source(%dma_start3A_36 : memref<10000xf32, #tpu.memory_space<hbm>>) target(%arg9 : memref<10000xf32, #tpu.memory_space<vmem>>) target_semaphore(%arg19 : memref<!tpu.dma_semaphore, #tpu.memory_space<semaphore_mem>>)
      %add3A_37 = arith.constant 6 : i32
      %add3A_38 = arith.addi %add3A_37, %select_n3A : i32
      %dma_start3A_39 = arith.constant 0 : i32
      %dma_start3A_40 = tpu.memref_slice %arg2[%add3A_38, %dma_start3A_39] : memref<32x10000xf32, #tpu.memory_space<hbm>> -> memref<1x10000xf32, #tpu.memory_space<hbm>>
      %dma_start3A_41 = tpu.memref_squeeze %dma_start3A_40 : memref<1x10000xf32, #tpu.memory_space<hbm>> -> memref<10000xf32, #tpu.memory_space<hbm>>
      %dma_start3A_42 = arith.constant 0 : i32
      %dma_start3A_43 = tpu.memref_slice %arg2[%add3A_38, %dma_start3A_42] : memref<32x10000xf32, #tpu.memory_space<hbm>> -> memref<1x10000xf32, #tpu.memory_space<hbm>>
      %dma_start3A_44 = tpu.memref_squeeze %dma_start3A_43 : memref<1x10000xf32, #tpu.memory_space<hbm>> -> memref<10000xf32, #tpu.memory_space<hbm>>
      tpu.enqueue_dma source(%dma_start3A_44 : memref<10000xf32, #tpu.memory_space<hbm>>) target(%arg10 : memref<10000xf32, #tpu.memory_space<vmem>>) target_semaphore(%arg19 : memref<!tpu.dma_semaphore, #tpu.memory_space<semaphore_mem>>)
      %mul3A_45 = arith.constant 64000 : i32
      %mul3A_46 = arith.muli %sub3A_19, %mul3A_45 : i32
      %dma_start3A_47 = arith.constant 0 : i32
      %dma_start3A_48 = tpu.memref_slice %arg15[%dma_start3A_47] : memref<5120xi32, #tpu.memory_space<vmem>> -> memref<2560xi32, #tpu.memory_space<vmem>>
      %dma_start3A_49 = tpu.memref_slice %arg5[%mul3A_46] : memref<640000xi32, #tpu.memory_space<hbm>> -> memref<2560xi32, #tpu.memory_space<hbm>>
      %dma_start3A_50 = arith.constant 0 : i32
      %dma_start3A_51 = tpu.memref_slice %arg15[%dma_start3A_50] : memref<5120xi32, #tpu.memory_space<vmem>> -> memref<2560xi32, #tpu.memory_space<vmem>>
      %dma_start3A_52 = tpu.memref_slice %arg5[%mul3A_46] : memref<640000xi32, #tpu.memory_space<hbm>> -> memref<2560xi32, #tpu.memory_space<hbm>>
      tpu.enqueue_dma source(%dma_start3A_52 : memref<2560xi32, #tpu.memory_space<hbm>>) target(%dma_start3A_51 : memref<2560xi32, #tpu.memory_space<vmem>>) target_semaphore(%arg20 : memref<!tpu.dma_semaphore, #tpu.memory_space<semaphore_mem>>)
      %add3A_53 = arith.constant 320000 : i32
      %add3A_54 = arith.addi %add3A_53, %mul3A_46 : i32
      %dma_start3A_55 = arith.constant 0 : i32
      %dma_start3A_56 = tpu.memref_slice %arg16[%dma_start3A_55] : memref<5120xi32, #tpu.memory_space<vmem>> -> memref<2560xi32, #tpu.memory_space<vmem>>
      %dma_start3A_57 = tpu.memref_slice %arg5[%add3A_54] : memref<640000xi32, #tpu.memory_space<hbm>> -> memref<2560xi32, #tpu.memory_space<hbm>>
      %dma_start3A_58 = arith.constant 0 : i32
      %dma_start3A_59 = tpu.memref_slice %arg16[%dma_start3A_58] : memref<5120xi32, #tpu.memory_space<vmem>> -> memref<2560xi32, #tpu.memory_space<vmem>>
      %dma_start3A_60 = tpu.memref_slice %arg5[%add3A_54] : memref<640000xi32, #tpu.memory_space<hbm>> -> memref<2560xi32, #tpu.memory_space<hbm>>
      tpu.enqueue_dma source(%dma_start3A_60 : memref<2560xi32, #tpu.memory_space<hbm>>) target(%dma_start3A_59 : memref<2560xi32, #tpu.memory_space<vmem>>) target_semaphore(%arg20 : memref<!tpu.dma_semaphore, #tpu.memory_space<semaphore_mem>>)
      tpu.wait_dma2 semaphore(%arg19 : memref<!tpu.dma_semaphore, #tpu.memory_space<semaphore_mem>>) src(%arg3 : memref<10000xi32, #tpu.memory_space<hbm>>) dst(%arg8 : memref<10000xi32, #tpu.memory_space<vmem>>)
      %dma_wait3A = arith.constant 0 : i32
      %dma_wait3A_61 = tpu.memref_slice %arg2[%select_n3A, %dma_wait3A] : memref<32x10000xf32, #tpu.memory_space<hbm>> -> memref<1x10000xf32, #tpu.memory_space<hbm>>
      %dma_wait3A_62 = tpu.memref_squeeze %dma_wait3A_61 : memref<1x10000xf32, #tpu.memory_space<hbm>> -> memref<10000xf32, #tpu.memory_space<hbm>>
      %dma_wait3A_63 = arith.constant 0 : i32
      %dma_wait3A_64 = tpu.memref_slice %arg2[%select_n3A, %dma_wait3A_63] : memref<32x10000xf32, #tpu.memory_space<hbm>> -> memref<1x10000xf32, #tpu.memory_space<hbm>>
      %dma_wait3A_65 = tpu.memref_squeeze %dma_wait3A_64 : memref<1x10000xf32, #tpu.memory_space<hbm>> -> memref<10000xf32, #tpu.memory_space<hbm>>
      tpu.wait_dma2 semaphore(%arg19 : memref<!tpu.dma_semaphore, #tpu.memory_space<semaphore_mem>>) src(%dma_wait3A_65 : memref<10000xf32, #tpu.memory_space<hbm>>) dst(%arg9 : memref<10000xf32, #tpu.memory_space<vmem>>)
      %dma_wait3A_66 = arith.constant 0 : i32
      %dma_wait3A_67 = tpu.memref_slice %arg2[%add3A_38, %dma_wait3A_66] : memref<32x10000xf32, #tpu.memory_space<hbm>> -> memref<1x10000xf32, #tpu.memory_space<hbm>>
      %dma_wait3A_68 = tpu.memref_squeeze %dma_wait3A_67 : memref<1x10000xf32, #tpu.memory_space<hbm>> -> memref<10000xf32, #tpu.memory_space<hbm>>
      %dma_wait3A_69 = arith.constant 0 : i32
      %dma_wait3A_70 = tpu.memref_slice %arg2[%add3A_38, %dma_wait3A_69] : memref<32x10000xf32, #tpu.memory_space<hbm>> -> memref<1x10000xf32, #tpu.memory_space<hbm>>
      %dma_wait3A_71 = tpu.memref_squeeze %dma_wait3A_70 : memref<1x10000xf32, #tpu.memory_space<hbm>> -> memref<10000xf32, #tpu.memory_space<hbm>>
      tpu.wait_dma2 semaphore(%arg19 : memref<!tpu.dma_semaphore, #tpu.memory_space<semaphore_mem>>) src(%dma_wait3A_71 : memref<10000xf32, #tpu.memory_space<hbm>>) dst(%arg10 : memref<10000xf32, #tpu.memory_space<vmem>>)
      %parallel_loop3A_72 = arith.constant 0 : i32
      %parallel_loop3A_73 = arith.constant 625 : i32
      %parallel_loop3A_74 = arith.constant 1 : i32
      scf.for %parallel_loop3A_83 = %parallel_loop3A_72 to %parallel_loop3A_73 step %parallel_loop3A_74  : i32 {
        %parallel_loop3A_84 = arith.constant 16 : i32
        %parallel_loop3A_85 = arith.muli %parallel_loop3A_83, %parallel_loop3A_84 : i32
        %parallel_loop3A_86 = arith.index_cast %parallel_loop3A_85 : i32 to index
        %parallel_loop3A_87 = tpu.vector_load %arg8[%parallel_loop3A_86] {strides = array<i32>} : memref<10000xi32, #tpu.memory_space<vmem>>, vector<16xi32>,
        %parallel_loop3A_88 = arith.constant 0.000000e+00 : f32
        %parallel_loop3A_89 = vector.broadcast %parallel_loop3A_88 : f32 to vector<16xf32>
        %parallel_loop3A_90 = tpu.vector_load_idx %arg9[%parallel_loop3A_87] : memref<10000xf32, #tpu.memory_space<vmem>>[vector<16xi32>], vector<16xf32>,
        %parallel_loop3A_91 = arith.index_cast %parallel_loop3A_85 : i32 to index
        %parallel_loop3A_92 = tpu.vector_load %arg11[%parallel_loop3A_91] {strides = array<i32>} : memref<10000xf32, #tpu.memory_space<vmem>>, vector<16xf32>,
        tpu.vector_store %arg11[%parallel_loop3A_91], %parallel_loop3A_90 {strides = array<i32>} : memref<10000xf32, #tpu.memory_space<vmem>>, vector<16xf32>,
        %parallel_loop3A_93 = tpu.vector_load_idx %arg10[%parallel_loop3A_87] : memref<10000xf32, #tpu.memory_space<vmem>>[vector<16xi32>], vector<16xf32>,
        %parallel_loop3A_94 = arith.index_cast %parallel_loop3A_85 : i32 to index
        %parallel_loop3A_95 = tpu.vector_load %arg12[%parallel_loop3A_94] {strides = array<i32>} : memref<10000xf32, #tpu.memory_space<vmem>>, vector<16xf32>,
        tpu.vector_store %arg12[%parallel_loop3A_94], %parallel_loop3A_93 {strides = array<i32>} : memref<10000xf32, #tpu.memory_space<vmem>>, vector<16xf32>,
        %parallel_loop3A_96 = arith.index_cast %parallel_loop3A_85 : i32 to index
        %parallel_loop3A_97 = tpu.vector_load %arg13[%parallel_loop3A_96] {strides = array<i32>} : memref<10240xf32, #tpu.memory_space<vmem>>, vector<16xf32>,
        tpu.vector_store %arg13[%parallel_loop3A_96], %parallel_loop3A_89 {strides = array<i32>} : memref<10240xf32, #tpu.memory_space<vmem>>, vector<16xf32>,
        %parallel_loop3A_98 = arith.index_cast %parallel_loop3A_85 : i32 to index
        %parallel_loop3A_99 = tpu.vector_load %arg14[%parallel_loop3A_98] {strides = array<i32>} : memref<10240xf32, #tpu.memory_space<vmem>>, vector<16xf32>,
        tpu.vector_store %arg14[%parallel_loop3A_98], %parallel_loop3A_89 {strides = array<i32>} : memref<10240xf32, #tpu.memory_space<vmem>>, vector<16xf32>,
      } {sc.loop_unroll_factor = 5 : i64, sc.parallel_access}
      %scan3A = arith.constant 0 : i32
      %scan3A_75 = arith.constant 0 : i32
      %scan3A_76 = arith.constant 25 : i32
      %scan3A_77 = arith.addi %scan3A_75, %scan3A_76 : i32
      %scan3A_78 = arith.constant 1 : i32
      %scan3A_79 = scf.for %scan3A_83 = %scan3A_75 to %scan3A_77 step %scan3A_78 iter_args(%scan3A_84 = %scan3A) -> (i32)  : i32 {
        %rem3A_85 = arith.constant 2 : i32
        %rem3A_86 = arith.remsi %scan3A_83, %rem3A_85 : i32
        %dma_wait3A_87 = arith.constant 0 : i32
        %dma_wait3A_88 = tpu.memref_slice %arg15[%dma_wait3A_87] : memref<5120xi32, #tpu.memory_space<vmem>> -> memref<2560xi32, #tpu.memory_space<vmem>>
        %dma_wait3A_89 = arith.constant 0 : i32
        %dma_wait3A_90 = tpu.memref_slice %arg5[%dma_wait3A_89] : memref<640000xi32, #tpu.memory_space<hbm>> -> memref<2560xi32, #tpu.memory_space<hbm>>
        %dma_wait3A_91 = arith.constant 0 : i32
        %dma_wait3A_92 = tpu.memref_slice %arg15[%dma_wait3A_91] : memref<5120xi32, #tpu.memory_space<vmem>> -> memref<2560xi32, #tpu.memory_space<vmem>>
        %dma_wait3A_93 = arith.constant 0 : i32
        %dma_wait3A_94 = tpu.memref_slice %arg5[%dma_wait3A_93] : memref<640000xi32, #tpu.memory_space<hbm>> -> memref<2560xi32, #tpu.memory_space<hbm>>
        tpu.wait_dma2 semaphore(%arg20 : memref<!tpu.dma_semaphore, #tpu.memory_space<semaphore_mem>>) src(%dma_wait3A_94 : memref<2560xi32, #tpu.memory_space<hbm>>) dst(%dma_wait3A_92 : memref<2560xi32, #tpu.memory_space<vmem>>)
        %dma_wait3A_95 = arith.constant 0 : i32
        %dma_wait3A_96 = tpu.memref_slice %arg16[%dma_wait3A_95] : memref<5120xi32, #tpu.memory_space<vmem>> -> memref<2560xi32, #tpu.memory_space<vmem>>
        %dma_wait3A_97 = arith.constant 0 : i32
        %dma_wait3A_98 = tpu.memref_slice %arg5[%dma_wait3A_97] : memref<640000xi32, #tpu.memory_space<hbm>> -> memref<2560xi32, #tpu.memory_space<hbm>>
        %dma_wait3A_99 = arith.constant 0 : i32
        %dma_wait3A_100 = tpu.memref_slice %arg16[%dma_wait3A_99] : memref<5120xi32, #tpu.memory_space<vmem>> -> memref<2560xi32, #tpu.memory_space<vmem>>
        %dma_wait3A_101 = arith.constant 0 : i32
        %dma_wait3A_102 = tpu.memref_slice %arg5[%dma_wait3A_101] : memref<640000xi32, #tpu.memory_space<hbm>> -> memref<2560xi32, #tpu.memory_space<hbm>>
        tpu.wait_dma2 semaphore(%arg20 : memref<!tpu.dma_semaphore, #tpu.memory_space<semaphore_mem>>) src(%dma_wait3A_102 : memref<2560xi32, #tpu.memory_space<hbm>>) dst(%dma_wait3A_100 : memref<2560xi32, #tpu.memory_space<vmem>>)
        %add3A_103 = arith.constant 1 : i32
        %add3A_104 = arith.addi %scan3A_83, %add3A_103 : i32
        %lt3A_105 = arith.constant 25 : i32
        %lt3A_106 = arith.cmpi slt, %add3A_104, %lt3A_105 : i32
        %convert_element_type3A_107 = arith.extui %lt3A_106 : i1 to i32
        %cond3A_108 = arith.constant 0 : i32
        %cond3A_109 = arith.cmpi ne, %convert_element_type3A_107, %cond3A_108 : i32
        scf.if %cond3A_109 {
          %add3A_116 = arith.constant 1 : i32
          %add3A_117 = arith.addi %scan3A_83, %add3A_116 : i32
          %rem3A_118 = arith.constant 2 : i32
          %rem3A_119 = arith.remsi %add3A_117, %rem3A_118 : i32
          %add3A_120 = arith.constant 1 : i32
          %add3A_121 = arith.addi %scan3A_83, %add3A_120 : i32
          %mul3A_122 = arith.constant 2560 : i32
          %mul3A_123 = arith.muli %add3A_121, %mul3A_122 : i32
          %add3A_124 = arith.addi %mul3A_46, %mul3A_123 : i32
          %mul3A_125 = arith.constant 2560 : i32
          %mul3A_126 = arith.muli %rem3A_119, %mul3A_125 : i32
          %dma_start3A_127 = tpu.memref_slice %arg15[%mul3A_126] : memref<5120xi32, #tpu.memory_space<vmem>> -> memref<2560xi32, #tpu.memory_space<vmem>>
          %dma_start3A_128 = tpu.memref_slice %arg5[%add3A_124] : memref<640000xi32, #tpu.memory_space<hbm>> -> memref<2560xi32, #tpu.memory_space<hbm>>
          %dma_start3A_129 = tpu.memref_slice %arg15[%mul3A_126] : memref<5120xi32, #tpu.memory_space<vmem>> -> memref<2560xi32, #tpu.memory_space<vmem>>
          %dma_start3A_130 = tpu.memref_slice %arg5[%add3A_124] : memref<640000xi32, #tpu.memory_space<hbm>> -> memref<2560xi32, #tpu.memory_space<hbm>>
          tpu.enqueue_dma source(%dma_start3A_130 : memref<2560xi32, #tpu.memory_space<hbm>>) target(%dma_start3A_129 : memref<2560xi32, #tpu.memory_space<vmem>>) target_semaphore(%arg20 : memref<!tpu.dma_semaphore, #tpu.memory_space<semaphore_mem>>)
          %add3A_131 = arith.constant 320000 : i32
          %add3A_132 = arith.addi %add3A_131, %add3A_124 : i32
          %mul3A_133 = arith.constant 2560 : i32
          %mul3A_134 = arith.muli %rem3A_119, %mul3A_133 : i32
          %dma_start3A_135 = tpu.memref_slice %arg16[%mul3A_134] : memref<5120xi32, #tpu.memory_space<vmem>> -> memref<2560xi32, #tpu.memory_space<vmem>>
          %dma_start3A_136 = tpu.memref_slice %arg5[%add3A_132] : memref<640000xi32, #tpu.memory_space<hbm>> -> memref<2560xi32, #tpu.memory_space<hbm>>
          %dma_start3A_137 = tpu.memref_slice %arg16[%mul3A_134] : memref<5120xi32, #tpu.memory_space<vmem>> -> memref<2560xi32, #tpu.memory_space<vmem>>
          %dma_start3A_138 = tpu.memref_slice %arg5[%add3A_132] : memref<640000xi32, #tpu.memory_space<hbm>> -> memref<2560xi32, #tpu.memory_space<hbm>>
          tpu.enqueue_dma source(%dma_start3A_138 : memref<2560xi32, #tpu.memory_space<hbm>>) target(%dma_start3A_137 : memref<2560xi32, #tpu.memory_space<vmem>>) target_semaphore(%arg20 : memref<!tpu.dma_semaphore, #tpu.memory_space<semaphore_mem>>)
        } else {
        }
        %mul3A_110 = arith.constant 2560 : i32
        %mul3A_111 = arith.muli %rem3A_86, %mul3A_110 : i32
        %parallel_loop3A_112 = arith.constant 0 : i32
        %parallel_loop3A_113 = arith.constant 160 : i32
        %parallel_loop3A_114 = arith.constant 1 : i32
        scf.for %parallel_loop3A_116 = %parallel_loop3A_112 to %parallel_loop3A_113 step %parallel_loop3A_114  : i32 {
          %parallel_loop3A_117 = arith.constant 16 : i32
          %parallel_loop3A_118 = arith.muli %parallel_loop3A_116, %parallel_loop3A_117 : i32
          %parallel_loop3A_119 = arith.addi %mul3A_111, %parallel_loop3A_118 : i32
          %parallel_loop3A_120 = arith.index_cast %parallel_loop3A_119 : i32 to index
          %parallel_loop3A_121 = tpu.vector_load %arg15[%parallel_loop3A_120] {strides = array<i32>} : memref<5120xi32, #tpu.memory_space<vmem>>, vector<16xi32>,
          %parallel_loop3A_122 = arith.index_cast %parallel_loop3A_119 : i32 to index
          %parallel_loop3A_123 = tpu.vector_load %arg16[%parallel_loop3A_122] {strides = array<i32>} : memref<5120xi32, #tpu.memory_space<vmem>>, vector<16xi32>,
          %parallel_loop3A_124 = tpu.vector_load_idx %arg11[%parallel_loop3A_121] : memref<10000xf32, #tpu.memory_space<vmem>>[vector<16xi32>], vector<16xf32>,
          %parallel_loop3A_125 = vector.bitcast %parallel_loop3A_124 : vector<16xf32> to vector<16xi32>
          %parallel_loop3A_126 = arith.constant -65536 : i32
          %parallel_loop3A_127 = vector.broadcast %parallel_loop3A_126 : i32 to vector<16xi32>
          %parallel_loop3A_128 = arith.andi %parallel_loop3A_125, %parallel_loop3A_127 : vector<16xi32>
          %parallel_loop3A_129 = vector.bitcast %parallel_loop3A_128 : vector<16xi32> to vector<16xf32>
          %parallel_loop3A_130 = arith.constant 16 : i32
          %parallel_loop3A_131 = vector.broadcast %parallel_loop3A_130 : i32 to vector<16xi32>
          %parallel_loop3A_132 = arith.shli %parallel_loop3A_125, %parallel_loop3A_131 : vector<16xi32>
          %parallel_loop3A_133 = vector.bitcast %parallel_loop3A_132 : vector<16xi32> to vector<16xf32>
          %parallel_loop3A_134 = tpu.vector_load_idx %arg12[%parallel_loop3A_123] : memref<10000xf32, #tpu.memory_space<vmem>>[vector<16xi32>], vector<16xf32>,
          %parallel_loop3A_135 = arith.addf %parallel_loop3A_129, %parallel_loop3A_134 : vector<16xf32>
          %parallel_loop3A_136 = arith.constant 2.000000e-01 : f32
          %parallel_loop3A_137 = vector.broadcast %parallel_loop3A_136 : f32 to vector<16xf32>
          %parallel_loop3A_138 = arith.mulf %parallel_loop3A_137, %parallel_loop3A_135 : vector<16xf32>
          %parallel_loop3A_139 = arith.maximumf %parallel_loop3A_135, %parallel_loop3A_138 : vector<16xf32>
          %parallel_loop3A_140 = math.exp %parallel_loop3A_139 : vector<16xf32>
          tpu.vector_store_idx %arg14[%parallel_loop3A_123], %parallel_loop3A_140 {add = true} : memref<10240xf32, #tpu.memory_space<vmem>>[vector<16xi32>], vector<16xf32>,
          %parallel_loop3A_141 = arith.mulf %parallel_loop3A_140, %parallel_loop3A_133 : vector<16xf32>
          tpu.vector_store_idx %arg13[%parallel_loop3A_123], %parallel_loop3A_141 {add = true} : memref<10240xf32, #tpu.memory_space<vmem>>[vector<16xi32>], vector<16xf32>,
        } {sc.loop_unroll_factor = 32 : i64, sc.parallel_access}
        %scan3A_115 = arith.constant 0 : i32
        scf.yield %scan3A_115 : i32
      }
      %scan3A_80 = arith.constant 25 : i32
      %run_scoped3A_81 = arith.constant 0 : i32
      "tpu.region"() ({
        %run_scoped3A_83 = tpu.sem_alloc : memref<!tpu.dma_semaphore, #tpu.memory_space<semaphore_mem>>
        %dma_start3A_84 = arith.constant 0 : i32
        %dma_start3A_85 = tpu.memref_slice %arg6[%add3A, %run_scoped3A_81, %dma_start3A_84] : memref<30x2x10240xf32, #tpu.memory_space<hbm>> -> memref<1x1x10240xf32, #tpu.memory_space<hbm>>
        %dma_start3A_86 = tpu.memref_squeeze %dma_start3A_85 : memref<1x1x10240xf32, #tpu.memory_space<hbm>> -> memref<10240xf32, #tpu.memory_space<hbm>>
        %dma_start3A_87 = arith.constant 0 : i32
        %dma_start3A_88 = tpu.memref_slice %arg6[%add3A, %run_scoped3A_81, %dma_start3A_87] : memref<30x2x10240xf32, #tpu.memory_space<hbm>> -> memref<1x1x10240xf32, #tpu.memory_space<hbm>>
        %dma_start3A_89 = tpu.memref_squeeze %dma_start3A_88 : memref<1x1x10240xf32, #tpu.memory_space<hbm>> -> memref<10240xf32, #tpu.memory_space<hbm>>
        tpu.enqueue_dma source(%arg13 : memref<10240xf32, #tpu.memory_space<vmem>>) target(%dma_start3A_89 : memref<10240xf32, #tpu.memory_space<hbm>>) target_semaphore(%run_scoped3A_83 : memref<!tpu.dma_semaphore, #tpu.memory_space<semaphore_mem>>)
        %dma_wait3A_90 = arith.constant 0 : i32
        %dma_wait3A_91 = tpu.memref_slice %arg6[%add3A, %run_scoped3A_81, %dma_wait3A_90] : memref<30x2x10240xf32, #tpu.memory_space<hbm>> -> memref<1x1x10240xf32, #tpu.memory_space<hbm>>
        %dma_wait3A_92 = tpu.memref_squeeze %dma_wait3A_91 : memref<1x1x10240xf32, #tpu.memory_space<hbm>> -> memref<10240xf32, #tpu.memory_space<hbm>>
        %dma_wait3A_93 = arith.constant 0 : i32
        %dma_wait3A_94 = tpu.memref_slice %arg6[%add3A, %run_scoped3A_81, %dma_wait3A_93] : memref<30x2x10240xf32, #tpu.memory_space<hbm>> -> memref<1x1x10240xf32, #tpu.memory_space<hbm>>
        %dma_wait3A_95 = tpu.memref_squeeze %dma_wait3A_94 : memref<1x1x10240xf32, #tpu.memory_space<hbm>> -> memref<10240xf32, #tpu.memory_space<hbm>>
        tpu.wait_dma2 semaphore(%run_scoped3A_83 : memref<!tpu.dma_semaphore, #tpu.memory_space<semaphore_mem>>) src(%arg13 : memref<10240xf32, #tpu.memory_space<vmem>>) dst(%dma_wait3A_95 : memref<10240xf32, #tpu.memory_space<hbm>>)
        tpu.yield
      }) : () -> ()
      %run_scoped3A_82 = arith.constant 1 : i32
      "tpu.region"() ({
        %run_scoped3A_83 = tpu.sem_alloc : memref<!tpu.dma_semaphore, #tpu.memory_space<semaphore_mem>>
        %dma_start3A_84 = arith.constant 0 : i32
        %dma_start3A_85 = tpu.memref_slice %arg6[%add3A, %run_scoped3A_82, %dma_start3A_84] : memref<30x2x10240xf32, #tpu.memory_space<hbm>> -> memref<1x1x10240xf32, #tpu.memory_space<hbm>>
        %dma_start3A_86 = tpu.memref_squeeze %dma_start3A_85 : memref<1x1x10240xf32, #tpu.memory_space<hbm>> -> memref<10240xf32, #tpu.memory_space<hbm>>
        %dma_start3A_87 = arith.constant 0 : i32
        %dma_start3A_88 = tpu.memref_slice %arg6[%add3A, %run_scoped3A_82, %dma_start3A_87] : memref<30x2x10240xf32, #tpu.memory_space<hbm>> -> memref<1x1x10240xf32, #tpu.memory_space<hbm>>
        %dma_start3A_89 = tpu.memref_squeeze %dma_start3A_88 : memref<1x1x10240xf32, #tpu.memory_space<hbm>> -> memref<10240xf32, #tpu.memory_space<hbm>>
        tpu.enqueue_dma source(%arg14 : memref<10240xf32, #tpu.memory_space<vmem>>) target(%dma_start3A_89 : memref<10240xf32, #tpu.memory_space<hbm>>) target_semaphore(%run_scoped3A_83 : memref<!tpu.dma_semaphore, #tpu.memory_space<semaphore_mem>>)
        %dma_wait3A_90 = arith.constant 0 : i32
        %dma_wait3A_91 = tpu.memref_slice %arg6[%add3A, %run_scoped3A_82, %dma_wait3A_90] : memref<30x2x10240xf32, #tpu.memory_space<hbm>> -> memref<1x1x10240xf32, #tpu.memory_space<hbm>>
        %dma_wait3A_92 = tpu.memref_squeeze %dma_wait3A_91 : memref<1x1x10240xf32, #tpu.memory_space<hbm>> -> memref<10240xf32, #tpu.memory_space<hbm>>
        %dma_wait3A_93 = arith.constant 0 : i32
        %dma_wait3A_94 = tpu.memref_slice %arg6[%add3A, %run_scoped3A_82, %dma_wait3A_93] : memref<30x2x10240xf32, #tpu.memory_space<hbm>> -> memref<1x1x10240xf32, #tpu.memory_space<hbm>>
        %dma_wait3A_95 = tpu.memref_squeeze %dma_wait3A_94 : memref<1x1x10240xf32, #tpu.memory_space<hbm>> -> memref<10240xf32, #tpu.memory_space<hbm>>
        tpu.wait_dma2 semaphore(%run_scoped3A_83 : memref<!tpu.dma_semaphore, #tpu.memory_space<semaphore_mem>>) src(%arg14 : memref<10240xf32, #tpu.memory_space<vmem>>) dst(%dma_wait3A_95 : memref<10240xf32, #tpu.memory_space<hbm>>)
        tpu.yield
      }) : () -> ()
    } else {
    }
    %ge3A = arith.constant 30 : i32
    %ge3A_22 = arith.cmpi sge, %add3A, %ge3A : i32
    %convert_element_type3A_23 = arith.extui %ge3A_22 : i1 to i32
    %cond3A_24 = arith.constant 0 : i32
    %cond3A_25 = arith.cmpi ne, %convert_element_type3A_23, %cond3A_24 : i32
    scf.if %cond3A_25 {
      tpu.wait_dma2 semaphore(%arg19 : memref<!tpu.dma_semaphore, #tpu.memory_space<semaphore_mem>>) src(%arg3 : memref<10000xi32, #tpu.memory_space<hbm>>) dst(%arg8 : memref<10000xi32, #tpu.memory_space<vmem>>)
    } else {
    }
    %run_scoped3A = arith.constant 12 : i32
    "tpu.region"() ({
      %run_scoped3A_32 = tpu.sem_alloc : memref<!tpu.dma_semaphore, #tpu.memory_space<semaphore_mem>>
      %dma_start3A = arith.constant 0 : i32
      %dma_start3A_33 = tpu.memref_slice %arg2[%run_scoped3A, %dma_start3A] : memref<32x10000xf32, #tpu.memory_space<hbm>> -> memref<1x10000xf32, #tpu.memory_space<hbm>>
      %dma_start3A_34 = tpu.memref_squeeze %dma_start3A_33 : memref<1x10000xf32, #tpu.memory_space<hbm>> -> memref<10000xf32, #tpu.memory_space<hbm>>
      %dma_start3A_35 = arith.constant 0 : i32
      %dma_start3A_36 = tpu.memref_slice %arg2[%run_scoped3A, %dma_start3A_35] : memref<32x10000xf32, #tpu.memory_space<hbm>> -> memref<1x10000xf32, #tpu.memory_space<hbm>>
      %dma_start3A_37 = tpu.memref_squeeze %dma_start3A_36 : memref<1x10000xf32, #tpu.memory_space<hbm>> -> memref<10000xf32, #tpu.memory_space<hbm>>
      tpu.enqueue_dma source(%dma_start3A_37 : memref<10000xf32, #tpu.memory_space<hbm>>) target(%arg9 : memref<10000xf32, #tpu.memory_space<vmem>>) target_semaphore(%run_scoped3A_32 : memref<!tpu.dma_semaphore, #tpu.memory_space<semaphore_mem>>)
      %dma_wait3A = arith.constant 0 : i32
      %dma_wait3A_38 = tpu.memref_slice %arg2[%run_scoped3A, %dma_wait3A] : memref<32x10000xf32, #tpu.memory_space<hbm>> -> memref<1x10000xf32, #tpu.memory_space<hbm>>
      %dma_wait3A_39 = tpu.memref_squeeze %dma_wait3A_38 : memref<1x10000xf32, #tpu.memory_space<hbm>> -> memref<10000xf32, #tpu.memory_space<hbm>>
      %dma_wait3A_40 = arith.constant 0 : i32
      %dma_wait3A_41 = tpu.memref_slice %arg2[%run_scoped3A, %dma_wait3A_40] : memref<32x10000xf32, #tpu.memory_space<hbm>> -> memref<1x10000xf32, #tpu.memory_space<hbm>>
      %dma_wait3A_42 = tpu.memref_squeeze %dma_wait3A_41 : memref<1x10000xf32, #tpu.memory_space<hbm>> -> memref<10000xf32, #tpu.memory_space<hbm>>
      tpu.wait_dma2 semaphore(%run_scoped3A_32 : memref<!tpu.dma_semaphore, #tpu.memory_space<semaphore_mem>>) src(%dma_wait3A_42 : memref<10000xf32, #tpu.memory_space<hbm>>) dst(%arg9 : memref<10000xf32, #tpu.memory_space<vmem>>)
      tpu.yield
    }) : () -> ()
    %mul3A_26 = arith.constant 320 : i32
    %mul3A_27 = arith.muli %add3A, %mul3A_26 : i32
    "tpu.region"() ({
      %run_scoped3A_32 = tpu.sem_alloc : memref<!tpu.dma_semaphore, #tpu.memory_space<semaphore_mem>>
      %dma_start3A = tpu.memref_slice %arg4[%mul3A_27] : memref<10240xi32, #tpu.memory_space<hbm>> -> memref<320xi32, #tpu.memory_space<hbm>>
      %dma_start3A_33 = tpu.memref_slice %arg4[%mul3A_27] : memref<10240xi32, #tpu.memory_space<hbm>> -> memref<320xi32, #tpu.memory_space<hbm>>
      tpu.enqueue_dma source(%dma_start3A_33 : memref<320xi32, #tpu.memory_space<hbm>>) target(%arg17 : memref<320xi32, #tpu.memory_space<vmem>>) target_semaphore(%run_scoped3A_32 : memref<!tpu.dma_semaphore, #tpu.memory_space<semaphore_mem>>)
      %dma_wait3A = tpu.memref_slice %arg4[%mul3A_27] : memref<10240xi32, #tpu.memory_space<hbm>> -> memref<320xi32, #tpu.memory_space<hbm>>
      %dma_wait3A_34 = tpu.memref_slice %arg4[%mul3A_27] : memref<10240xi32, #tpu.memory_space<hbm>> -> memref<320xi32, #tpu.memory_space<hbm>>
      tpu.wait_dma2 semaphore(%run_scoped3A_32 : memref<!tpu.dma_semaphore, #tpu.memory_space<semaphore_mem>>) src(%dma_wait3A_34 : memref<320xi32, #tpu.memory_space<hbm>>) dst(%arg17 : memref<320xi32, #tpu.memory_space<vmem>>)
      tpu.yield
    }) : () -> ()
    %parallel_loop3A = arith.constant 0 : i32
    %parallel_loop3A_28 = arith.constant 20 : i32
    %parallel_loop3A_29 = arith.constant 1 : i32
    scf.for %parallel_loop3A_32 = %parallel_loop3A to %parallel_loop3A_28 step %parallel_loop3A_29  : i32 {
      %parallel_loop3A_33 = arith.constant 16 : i32
      %parallel_loop3A_34 = arith.muli %parallel_loop3A_32, %parallel_loop3A_33 : i32
      %parallel_loop3A_35 = arith.index_cast %parallel_loop3A_34 : i32 to index
      %parallel_loop3A_36 = tpu.vector_load %arg17[%parallel_loop3A_35] {strides = array<i32>} : memref<320xi32, #tpu.memory_space<vmem>>, vector<16xi32>,
      %parallel_loop3A_37 = tpu.vector_load_idx %arg9[%parallel_loop3A_36] : memref<10000xf32, #tpu.memory_space<vmem>>[vector<16xi32>], vector<16xf32>,
      %parallel_loop3A_38 = arith.index_cast %parallel_loop3A_34 : i32 to index
      %parallel_loop3A_39 = tpu.vector_load %arg18[%parallel_loop3A_38] {strides = array<i32>} : memref<320xf32, #tpu.memory_space<vmem>>, vector<16xf32>,
      tpu.vector_store %arg18[%parallel_loop3A_38], %parallel_loop3A_37 {strides = array<i32>} : memref<320xf32, #tpu.memory_space<vmem>>, vector<16xf32>,
    } {sc.loop_unroll_factor = 4 : i64, sc.parallel_access}
    %mul3A_30 = arith.constant 320 : i32
    %mul3A_31 = arith.muli %add3A, %mul3A_30 : i32
    "tpu.region"() ({
      %run_scoped3A_32 = tpu.sem_alloc : memref<!tpu.dma_semaphore, #tpu.memory_space<semaphore_mem>>
      %dma_start3A = tpu.memref_slice %arg7[%mul3A_31] : memref<10240xf32, #tpu.memory_space<hbm>> -> memref<320xf32, #tpu.memory_space<hbm>>
      %dma_start3A_33 = tpu.memref_slice %arg7[%mul3A_31] : memref<10240xf32, #tpu.memory_space<hbm>> -> memref<320xf32, #tpu.memory_space<hbm>>
      tpu.enqueue_dma source(%arg18 : memref<320xf32, #tpu.memory_space<vmem>>) target(%dma_start3A_33 : memref<320xf32, #tpu.memory_space<hbm>>) target_semaphore(%run_scoped3A_32 : memref<!tpu.dma_semaphore, #tpu.memory_space<semaphore_mem>>)
      %dma_wait3A = tpu.memref_slice %arg7[%mul3A_31] : memref<10240xf32, #tpu.memory_space<hbm>> -> memref<320xf32, #tpu.memory_space<hbm>>
      %dma_wait3A_34 = tpu.memref_slice %arg7[%mul3A_31] : memref<10240xf32, #tpu.memory_space<hbm>> -> memref<320xf32, #tpu.memory_space<hbm>>
      tpu.wait_dma2 semaphore(%run_scoped3A_32 : memref<!tpu.dma_semaphore, #tpu.memory_space<semaphore_mem>>) src(%arg18 : memref<320xf32, #tpu.memory_space<vmem>>) dst(%dma_wait3A_34 : memref<320xf32, #tpu.memory_space<hbm>>)
      tpu.yield
    }) : () -> ()
    return
  }
}

module attributes {stable_mosaic.version = 14 : i64} {
  func.func @_tc_tables(%arg0: i32, %arg1: memref<10000x128xf32, #tpu.memory_space<vmem>>, %arg2: memref<10000x128xf32, #tpu.memory_space<vmem>>, %arg3: memref<128x768xf32, #tpu.memory_space<vmem>>, %arg4: memref<768x1xf32, #tpu.memory_space<vmem>>, %arg5: memref<768x1xf32, #tpu.memory_space<vmem>>, %arg6: memref<256x64xf32, #tpu.memory_space<vmem>>, %arg7: memref<64x1xf32, #tpu.memory_space<vmem>>, %arg8: memref<1x64xf32, #tpu.memory_space<vmem>>, %arg9: memref<1x1xf32, #tpu.memory_space<vmem>>, %arg10: memref<1x128xf32, #tpu.memory_space<vmem>>, %arg11: memref<32x10000xf32, #tpu.memory_space<vmem>>) attributes {dimension_semantics = [#tpu.dimension_semantics<arbitrary>], iteration_bounds = array<i64: 1>, scalar_prefetch = 0 : i64, scratch_operands = 0 : i64, tpu.core_type = #tpu.core_type<tc>, window_params = [{pipeline_mode = #tpu.pipeline_mode<synchronous>, transform_indices = @transform_0, window_bounds = array<i64: 10000, 128>}, {pipeline_mode = #tpu.pipeline_mode<synchronous>, transform_indices = @transform_1, window_bounds = array<i64: 10000, 128>}, {pipeline_mode = #tpu.pipeline_mode<synchronous>, transform_indices = @transform_2, window_bounds = array<i64: 128, 768>}, {pipeline_mode = #tpu.pipeline_mode<synchronous>, transform_indices = @transform_3, window_bounds = array<i64: 768, 1>}, {pipeline_mode = #tpu.pipeline_mode<synchronous>, transform_indices = @transform_4, window_bounds = array<i64: 768, 1>}, {pipeline_mode = #tpu.pipeline_mode<synchronous>, transform_indices = @transform_5, window_bounds = array<i64: 256, 64>}, {pipeline_mode = #tpu.pipeline_mode<synchronous>, transform_indices = @transform_6, window_bounds = array<i64: 64, 1>}, {pipeline_mode = #tpu.pipeline_mode<synchronous>, transform_indices = @transform_7, window_bounds = array<i64: 1, 64>}, {pipeline_mode = #tpu.pipeline_mode<synchronous>, transform_indices = @transform_8, window_bounds = array<i64: 1, 1>}, {pipeline_mode = #tpu.pipeline_mode<synchronous>, transform_indices = @transform_9, window_bounds = array<i64: 1, 128>}, {pipeline_mode = #tpu.pipeline_mode<synchronous>, transform_indices = @transform_10, window_bounds = array<i64: 32, 10000>}]} {
    %get3A = arith.constant 0 : index
    %get3A_0 = arith.constant 0 : index
    %get3A_1 = vector.load %arg6[%get3A, %get3A_0] : memref<256x64xf32, #tpu.memory_space<vmem>>, vector<256x64xf32>
    %get3A_2 = arith.constant 0 : index
    %get3A_3 = arith.constant 0 : index
    %get3A_4 = vector.load %arg7[%get3A_2, %get3A_3] : memref<64x1xf32, #tpu.memory_space<vmem>>, vector<64x1xf32>
    %dot_general3A = arith.constant dense<0.000000e+00> : vector<256x1xf32>
    %dot_general3A_5 = tpu.matmul %get3A_1, %get3A_4, %dot_general3A {dimension_numbers = #tpu.dot_dimension_numbers<[1], [0], [0], [1], [0, 0, 1, 1], [], []>, transpose_lhs_hint = false} : vector<256x64xf32>, vector<64x1xf32>, vector<256x1xf32> -> vector<256x1xf32>
    %slice3A = vector.extract_strided_slice %dot_general3A_5 {offsets = [0, 0], sizes = [128, 1], strides = [1, 1]} : vector<256x1xf32> to vector<128x1xf32>
    %slice3A_6 = vector.extract_strided_slice %dot_general3A_5 {offsets = [128, 0], sizes = [128, 1], strides = [1, 1]} : vector<256x1xf32> to vector<128x1xf32>
    %iota3A = tpu.iota {dimensions = array<i32: 0>} : vector<768x6xi32>
    %jit3A = arith.constant 128 : i32
    %div3A = vector.broadcast %jit3A : i32 to vector<768x6xi32>
    %div3A_7 = arith.divsi %iota3A, %div3A : vector<768x6xi32>
    %sign3A = arith.constant 0 : i32
    %sign3A_8 = vector.broadcast %sign3A : i32 to vector<768x6xi32>
    %sign3A_9 = arith.cmpi sgt, %iota3A, %sign3A_8 : vector<768x6xi32>
    %sign3A_10 = arith.extui %sign3A_9 : vector<768x6xi1> to vector<768x6xi32>
    %sign3A_11 = arith.constant 0 : i32
    %sign3A_12 = vector.broadcast %sign3A_11 : i32 to vector<768x6xi32>
    %sign3A_13 = arith.cmpi slt, %iota3A, %sign3A_12 : vector<768x6xi32>
    %sign3A_14 = arith.extui %sign3A_13 : vector<768x6xi1> to vector<768x6xi32>
    %sign3A_15 = arith.subi %sign3A_10, %sign3A_14 : vector<768x6xi32>
    %sign3A_16 = arith.constant 0 : i32
    %sign3A_17 = arith.cmpi sgt, %jit3A, %sign3A_16 : i32
    %sign3A_18 = arith.extui %sign3A_17 : i1 to i32
    %sign3A_19 = arith.constant 0 : i32
    %sign3A_20 = arith.cmpi slt, %jit3A, %sign3A_19 : i32
    %sign3A_21 = arith.extui %sign3A_20 : i1 to i32
    %sign3A_22 = arith.subi %sign3A_18, %sign3A_21 : i32
    %ne3A = vector.broadcast %sign3A_22 : i32 to vector<768x6xi32>
    %ne3A_23 = arith.cmpi ne, %sign3A_15, %ne3A : vector<768x6xi32>
    %rem3A = vector.broadcast %jit3A : i32 to vector<768x6xi32>
    %rem3A_24 = arith.remsi %iota3A, %rem3A : vector<768x6xi32>
    %ne3A_25 = arith.constant 0 : i32
    %ne3A_26 = vector.broadcast %ne3A_25 : i32 to vector<768x6xi32>
    %ne3A_27 = arith.cmpi ne, %rem3A_24, %ne3A_26 : vector<768x6xi32>
    %and3A = arith.andi %ne3A_23, %ne3A_27 : vector<768x6xi1>
    %sub3A = arith.constant 1 : i32
    %sub3A_28 = vector.broadcast %sub3A : i32 to vector<768x6xi32>
    %sub3A_29 = arith.subi %div3A_7, %sub3A_28 : vector<768x6xi32>
    %select_n3A = arith.select %and3A, %sub3A_29, %div3A_7 : vector<768x6xi1>, vector<768x6xi32>
    %iota3A_30 = tpu.iota {dimensions = array<i32: 1>} : vector<768x6xi32>
    %eq3A = arith.cmpi eq, %select_n3A, %iota3A_30 : vector<768x6xi32>
    %concatenate3A = tpu.concatenate %slice3A_6, %slice3A_6, %slice3A_6, %slice3A_6, %slice3A_6, %slice3A_6 in 0 : vector<128x1xf32>, vector<128x1xf32>, vector<128x1xf32>, vector<128x1xf32>, vector<128x1xf32>, vector<128x1xf32> -> vector<768x1xf32>
    %get3A_31 = arith.constant 0 : index
    %get3A_32 = arith.constant 0 : index
    %get3A_33 = vector.load %arg4[%get3A_31, %get3A_32] : memref<768x1xf32, #tpu.memory_space<vmem>>, vector<768x1xf32>
    %jit3A_34 = arith.constant 0.000000e+00 : f32
    %broadcast_in_dim3A = vector.shape_cast %get3A_33 : vector<768x1xf32> to vector<768x1xf32>
    %broadcast_in_dim3A_35 = vector.broadcast %broadcast_in_dim3A : vector<768x1xf32> to vector<768x6xf32>
    %broadcast_in_dim3A_36 = vector.broadcast %jit3A_34 : f32 to vector<768x6xf32>
    %select_n3A_37 = arith.select %eq3A, %broadcast_in_dim3A_35, %broadcast_in_dim3A_36 : vector<768x6xi1>, vector<768x6xf32>
    %jit3A_38 = arith.constant 0.000000e+00 : f32
    %broadcast_in_dim3A_39 = vector.shape_cast %concatenate3A : vector<768x1xf32> to vector<768x1xf32>
    %broadcast_in_dim3A_40 = vector.broadcast %broadcast_in_dim3A_39 : vector<768x1xf32> to vector<768x6xf32>
    %broadcast_in_dim3A_41 = vector.broadcast %jit3A_38 : f32 to vector<768x6xf32>
    %select_n3A_42 = arith.select %eq3A, %broadcast_in_dim3A_40, %broadcast_in_dim3A_41 : vector<768x6xi1>, vector<768x6xf32>
    %get3A_43 = arith.constant 0 : index
    %get3A_44 = arith.constant 0 : index
    %get3A_45 = vector.load %arg5[%get3A_43, %get3A_44] : memref<768x1xf32, #tpu.memory_space<vmem>>, vector<768x1xf32>
    %jit3A_46 = arith.constant 0.000000e+00 : f32
    %broadcast_in_dim3A_47 = vector.shape_cast %get3A_45 : vector<768x1xf32> to vector<768x1xf32>
    %broadcast_in_dim3A_48 = vector.broadcast %broadcast_in_dim3A_47 : vector<768x1xf32> to vector<768x6xf32>
    %broadcast_in_dim3A_49 = vector.broadcast %jit3A_46 : f32 to vector<768x6xf32>
    %select_n3A_50 = arith.select %eq3A, %broadcast_in_dim3A_48, %broadcast_in_dim3A_49 : vector<768x6xi1>, vector<768x6xf32>
    %concatenate3A_51 = tpu.concatenate %select_n3A_37, %select_n3A_42, %select_n3A_50 in 1 : vector<768x6xf32>, vector<768x6xf32>, vector<768x6xf32> -> vector<768x18xf32>
    %get3A_52 = arith.constant 0 : index
    %get3A_53 = arith.constant 0 : index
    %get3A_54 = vector.load %arg3[%get3A_52, %get3A_53] : memref<128x768xf32, #tpu.memory_space<vmem>>, vector<128x768xf32>
    %dot_general3A_55 = arith.constant dense<0.000000e+00> : vector<128x18xf32>
    %dot_general3A_56 = tpu.matmul %get3A_54, %concatenate3A_51, %dot_general3A_55 {dimension_numbers = #tpu.dot_dimension_numbers<[1], [0], [0], [1], [0, 0, 1, 1], [], []>, transpose_lhs_hint = false} : vector<128x768xf32>, vector<768x18xf32>, vector<128x18xf32> -> vector<128x18xf32>
    %get3A_57 = arith.constant 0 : index
    %get3A_58 = arith.constant 0 : index
    %get3A_59 = vector.load %arg1[%get3A_57, %get3A_58] : memref<10000x128xf32, #tpu.memory_space<vmem>>, vector<10000x128xf32>
    %dot_general3A_60 = arith.constant dense<0.000000e+00> : vector<18x10000xf32>
    %dot_general3A_61 = tpu.matmul %dot_general3A_56, %get3A_59, %dot_general3A_60 {dimension_numbers = #tpu.dot_dimension_numbers<[0], [1], [1], [0], [0, 1, 1, 0], [], []>, transpose_lhs_hint = false} : vector<128x18xf32>, vector<10000x128xf32>, vector<18x10000xf32> -> vector<18x10000xf32>
    %get3A_62 = arith.constant 0 : index
    %get3A_63 = arith.constant 0 : index
    %get3A_64 = vector.load %arg8[%get3A_62, %get3A_63] : memref<1x64xf32, #tpu.memory_space<vmem>>, vector<1x64xf32>
    %get3A_65 = arith.constant 0 : index
    %get3A_66 = arith.constant 0 : index
    %get3A_67 = vector.load %arg7[%get3A_65, %get3A_66] : memref<64x1xf32, #tpu.memory_space<vmem>>, vector<64x1xf32>
    %dot_general3A_68 = arith.constant dense<0.000000e+00> : vector<1x1xf32>
    %dot_general3A_69 = tpu.matmul %get3A_64, %get3A_67, %dot_general3A_68 {dimension_numbers = #tpu.dot_dimension_numbers<[1], [0], [0], [1], [0, 0, 1, 1], [], []>, transpose_lhs_hint = false} : vector<1x64xf32>, vector<64x1xf32>, vector<1x1xf32> -> vector<1x1xf32>
    %squeeze3A = vector.extract %dot_general3A_69[0, 0] : f32 from vector<1x1xf32>
    %get3A_70 = arith.constant 0 : index
    %get3A_71 = arith.constant 0 : index
    %get3A_72 = vector.load %arg9[%get3A_70, %get3A_71] : memref<1x1xf32, #tpu.memory_space<vmem>>, vector<1x1xf32>
    %get3A_73 = vector.extract %get3A_72[0, 0] : f32 from vector<1x1xf32>
    %add3A = arith.addf %squeeze3A, %get3A_73 : f32
    %get3A_74 = arith.constant 0 : index
    %get3A_75 = arith.constant 0 : index
    %get3A_76 = vector.load %arg10[%get3A_74, %get3A_75] : memref<1x128xf32, #tpu.memory_space<vmem>>, vector<1x128xf32>
    %dot_general3A_77 = arith.constant dense<0.000000e+00> : vector<1x1xf32>
    %dot_general3A_78 = tpu.matmul %get3A_76, %slice3A_6, %dot_general3A_77 {dimension_numbers = #tpu.dot_dimension_numbers<[1], [0], [0], [1], [0, 0, 1, 1], [], []>, transpose_lhs_hint = false} : vector<1x128xf32>, vector<128x1xf32>, vector<1x1xf32> -> vector<1x1xf32>
    %squeeze3A_79 = vector.extract %dot_general3A_78[0, 0] : f32 from vector<1x1xf32>
    %add3A_80 = arith.addf %add3A, %squeeze3A_79 : f32
    %get3A_81 = arith.constant 0 : index
    %get3A_82 = arith.constant 0 : index
    %get3A_83 = vector.load %arg2[%get3A_81, %get3A_82] : memref<10000x128xf32, #tpu.memory_space<vmem>>, vector<10000x128xf32>
    %dot_general3A_84 = arith.constant dense<0.000000e+00> : vector<1x10000xf32>
    %dot_general3A_85 = tpu.matmul %slice3A, %get3A_83, %dot_general3A_84 {dimension_numbers = #tpu.dot_dimension_numbers<[0], [1], [1], [0], [0, 1, 1, 0], [], []>, transpose_lhs_hint = false} : vector<128x1xf32>, vector<10000x128xf32>, vector<1x10000xf32> -> vector<1x10000xf32>
    %add3A_86 = vector.broadcast %add3A_80 : f32 to vector<1x10000xf32>
    %add3A_87 = arith.addf %dot_general3A_85, %add3A_86 : vector<1x10000xf32>
    %slice3A_88 = vector.extract_strided_slice %dot_general3A_61 {offsets = [0, 0], sizes = [6, 10000], strides = [1, 1]} : vector<18x10000xf32> to vector<6x10000xf32>
    %convert_element_type3A = arith.truncf %slice3A_88 : vector<6x10000xf32> to vector<6x10000xbf16>
    %bitcast_convert_type3A = tpu.bitcast %convert_element_type3A : vector<6x10000xbf16> -> vector<6x10000xi16>
    %slice3A_89 = vector.extract_strided_slice %dot_general3A_61 {offsets = [6, 0], sizes = [6, 10000], strides = [1, 1]} : vector<18x10000xf32> to vector<6x10000xf32>
    %convert_element_type3A_90 = arith.truncf %slice3A_89 : vector<6x10000xf32> to vector<6x10000xbf16>
    %bitcast_convert_type3A_91 = tpu.bitcast %convert_element_type3A_90 : vector<6x10000xbf16> -> vector<6x10000xi16>
    %convert_element_type3A_92 = arith.extui %bitcast_convert_type3A : vector<6x10000xi16> to vector<6x10000xi32>
    %shift_left3A = arith.constant 16 : i32
    %shift_left3A_93 = vector.broadcast %shift_left3A : i32 to vector<6x10000xi32>
    %shift_left3A_94 = arith.shli %convert_element_type3A_92, %shift_left3A_93 : vector<6x10000xi32>
    %convert_element_type3A_95 = arith.extui %bitcast_convert_type3A_91 : vector<6x10000xi16> to vector<6x10000xi32>
    %or3A = arith.ori %shift_left3A_94, %convert_element_type3A_95 : vector<6x10000xi32>
    %bitcast_convert_type3A_96 = tpu.bitcast %or3A : vector<6x10000xi32> -> vector<6x10000xf32>
    %slice3A_97 = vector.extract_strided_slice %dot_general3A_61 {offsets = [12, 0], sizes = [6, 10000], strides = [1, 1]} : vector<18x10000xf32> to vector<6x10000xf32>
    %broadcast_in_dim3A_98 = arith.constant 0.000000e+00 : f32
    %broadcast_in_dim3A_99 = vector.broadcast %broadcast_in_dim3A_98 : f32 to vector<19x10000xf32>
    %concatenate3A_100 = tpu.concatenate %bitcast_convert_type3A_96, %slice3A_97, %add3A_87, %broadcast_in_dim3A_99 in 0 : vector<6x10000xf32>, vector<6x10000xf32>, vector<1x10000xf32>, vector<19x10000xf32> -> vector<32x10000xf32>
    %swap3A = arith.constant 0 : index
    %swap3A_101 = arith.constant 0 : index
    %swap3A_102 = vector.load %arg11[%swap3A, %swap3A_101] : memref<32x10000xf32, #tpu.memory_space<vmem>>, vector<32x10000xf32>
    tpu.vector_store %arg11[%swap3A, %swap3A_101], %concatenate3A_100 {strides = array<i32>} : memref<32x10000xf32, #tpu.memory_space<vmem>>, vector<32x10000xf32>,
    return
  }
  func.func @transform_0(%arg0: i32) -> (i32, i32) {
    %c0_i32 = arith.constant 0 : i32
    %c0_i32_0 = arith.constant 0 : i32
    %c0_i32_1 = arith.constant 0 : i32
    return %c0_i32, %c0_i32_0 : i32, i32
  }
  func.func @transform_1(%arg0: i32) -> (i32, i32) {
    %c0_i32 = arith.constant 0 : i32
    %c0_i32_0 = arith.constant 0 : i32
    %c0_i32_1 = arith.constant 0 : i32
    return %c0_i32, %c0_i32_0 : i32, i32
  }
  func.func @transform_2(%arg0: i32) -> (i32, i32) {
    %c0_i32 = arith.constant 0 : i32
    %c0_i32_0 = arith.constant 0 : i32
    %c0_i32_1 = arith.constant 0 : i32
    return %c0_i32, %c0_i32_0 : i32, i32
  }
  func.func @transform_3(%arg0: i32) -> (i32, i32) {
    %c0_i32 = arith.constant 0 : i32
    %c0_i32_0 = arith.constant 0 : i32
    %c0_i32_1 = arith.constant 0 : i32
    return %c0_i32, %c0_i32_0 : i32, i32
  }
  func.func @transform_4(%arg0: i32) -> (i32, i32) {
    %c0_i32 = arith.constant 0 : i32
    %c0_i32_0 = arith.constant 0 : i32
    %c0_i32_1 = arith.constant 0 : i32
    return %c0_i32, %c0_i32_0 : i32, i32
  }
  func.func @transform_5(%arg0: i32) -> (i32, i32) {
    %c0_i32 = arith.constant 0 : i32
    %c0_i32_0 = arith.constant 0 : i32
    %c0_i32_1 = arith.constant 0 : i32
    return %c0_i32, %c0_i32_0 : i32, i32
  }
  func.func @transform_6(%arg0: i32) -> (i32, i32) {
    %c0_i32 = arith.constant 0 : i32
    %c0_i32_0 = arith.constant 0 : i32
    %c0_i32_1 = arith.constant 0 : i32
    return %c0_i32, %c0_i32_0 : i32, i32
  }
  func.func @transform_7(%arg0: i32) -> (i32, i32) {
    %c0_i32 = arith.constant 0 : i32
    %c0_i32_0 = arith.constant 0 : i32
    %c0_i32_1 = arith.constant 0 : i32
    return %c0_i32, %c0_i32_0 : i32, i32
  }
  func.func @transform_8(%arg0: i32) -> (i32, i32) {
    %c0_i32 = arith.constant 0 : i32
    %c0_i32_0 = arith.constant 0 : i32
    %c0_i32_1 = arith.constant 0 : i32
    return %c0_i32, %c0_i32_0 : i32, i32
  }
  func.func @transform_9(%arg0: i32) -> (i32, i32) {
    %c0_i32 = arith.constant 0 : i32
    %c0_i32_0 = arith.constant 0 : i32
    %c0_i32_1 = arith.constant 0 : i32
    return %c0_i32, %c0_i32_0 : i32, i32
  }
  func.func @transform_10(%arg0: i32) -> (i32, i32) {
    %c0_i32 = arith.constant 0 : i32
    %c0_i32_0 = arith.constant 0 : i32
    %c0_i32_1 = arith.constant 0 : i32
    return %c0_i32, %c0_i32_0 : i32, i32
  }
}

module attributes {stable_mosaic.version = 14 : i64} {
  func.func @_tc_finish(%arg0: i32, %arg1: memref<60x512xf32, #tpu.memory_space<vmem>>, %arg2: memref<1x1x512xf32, #tpu.memory_space<vmem>>, %arg3: memref<1x1x512xf32, #tpu.memory_space<vmem>>) attributes {dimension_semantics = [#tpu.dimension_semantics<arbitrary>], iteration_bounds = array<i64: 20>, scalar_prefetch = 0 : i64, scratch_operands = 0 : i64, tpu.core_type = #tpu.core_type<tc>, window_params = [{transform_indices = @transform_0, window_bounds = array<i64: 60, 512>}, {transform_indices = @transform_1, window_bounds = array<i64: 1, 1, 512>}, {transform_indices = @transform_2, window_bounds = array<i64: 1, 1, 512>}]} {
    %broadcast_in_dim3A = arith.constant 0.000000e+00 : f32
    %broadcast_in_dim3A_0 = vector.broadcast %broadcast_in_dim3A : f32 to vector<1x512xf32>
    %get3A = arith.constant 0 : index
    %get3A_1 = arith.constant 0 : index
    %get3A_2 = vector.load %arg1[%get3A, %get3A_1] : memref<60x512xf32, #tpu.memory_space<vmem>>, vector<1x512xf32>
    %get3A_3 = arith.constant 1 : index
    %get3A_4 = arith.constant 0 : index
    %get3A_5 = vector.load %arg1[%get3A_3, %get3A_4] : memref<60x512xf32, #tpu.memory_space<vmem>>, vector<1x512xf32>
    %get3A_6 = arith.constant 2 : index
    %get3A_7 = arith.constant 0 : index
    %get3A_8 = vector.load %arg1[%get3A_6, %get3A_7] : memref<60x512xf32, #tpu.memory_space<vmem>>, vector<1x512xf32>
    %add3A = arith.addf %get3A_2, %get3A_8 : vector<1x512xf32>
    %get3A_9 = arith.constant 3 : index
    %get3A_10 = arith.constant 0 : index
    %get3A_11 = vector.load %arg1[%get3A_9, %get3A_10] : memref<60x512xf32, #tpu.memory_space<vmem>>, vector<1x512xf32>
    %add3A_12 = arith.addf %get3A_5, %get3A_11 : vector<1x512xf32>
    %get3A_13 = arith.constant 4 : index
    %get3A_14 = arith.constant 0 : index
    %get3A_15 = vector.load %arg1[%get3A_13, %get3A_14] : memref<60x512xf32, #tpu.memory_space<vmem>>, vector<1x512xf32>
    %add3A_16 = arith.addf %add3A, %get3A_15 : vector<1x512xf32>
    %get3A_17 = arith.constant 5 : index
    %get3A_18 = arith.constant 0 : index
    %get3A_19 = vector.load %arg1[%get3A_17, %get3A_18] : memref<60x512xf32, #tpu.memory_space<vmem>>, vector<1x512xf32>
    %add3A_20 = arith.addf %add3A_12, %get3A_19 : vector<1x512xf32>
    %get3A_21 = arith.constant 6 : index
    %get3A_22 = arith.constant 0 : index
    %get3A_23 = vector.load %arg1[%get3A_21, %get3A_22] : memref<60x512xf32, #tpu.memory_space<vmem>>, vector<1x512xf32>
    %add3A_24 = arith.addf %add3A_16, %get3A_23 : vector<1x512xf32>
    %get3A_25 = arith.constant 7 : index
    %get3A_26 = arith.constant 0 : index
    %get3A_27 = vector.load %arg1[%get3A_25, %get3A_26] : memref<60x512xf32, #tpu.memory_space<vmem>>, vector<1x512xf32>
    %add3A_28 = arith.addf %add3A_20, %get3A_27 : vector<1x512xf32>
    %get3A_29 = arith.constant 8 : index
    %get3A_30 = arith.constant 0 : index
    %get3A_31 = vector.load %arg1[%get3A_29, %get3A_30] : memref<60x512xf32, #tpu.memory_space<vmem>>, vector<1x512xf32>
    %add3A_32 = arith.addf %add3A_24, %get3A_31 : vector<1x512xf32>
    %get3A_33 = arith.constant 9 : index
    %get3A_34 = arith.constant 0 : index
    %get3A_35 = vector.load %arg1[%get3A_33, %get3A_34] : memref<60x512xf32, #tpu.memory_space<vmem>>, vector<1x512xf32>
    %add3A_36 = arith.addf %add3A_28, %get3A_35 : vector<1x512xf32>
    %add3A_37 = arith.constant 1.000000e-16 : f32
    %add3A_38 = vector.broadcast %add3A_37 : f32 to vector<1x512xf32>
    %add3A_39 = arith.addf %add3A_36, %add3A_38 : vector<1x512xf32>
    %div3A = arith.divf %add3A_32, %add3A_39 : vector<1x512xf32>
    %add3A_40 = arith.addf %broadcast_in_dim3A_0, %div3A : vector<1x512xf32>
    %get3A_41 = arith.constant 10 : index
    %get3A_42 = arith.constant 0 : index
    %get3A_43 = vector.load %arg1[%get3A_41, %get3A_42] : memref<60x512xf32, #tpu.memory_space<vmem>>, vector<1x512xf32>
    %get3A_44 = arith.constant 11 : index
    %get3A_45 = arith.constant 0 : index
    %get3A_46 = vector.load %arg1[%get3A_44, %get3A_45] : memref<60x512xf32, #tpu.memory_space<vmem>>, vector<1x512xf32>
    %get3A_47 = arith.constant 12 : index
    %get3A_48 = arith.constant 0 : index
    %get3A_49 = vector.load %arg1[%get3A_47, %get3A_48] : memref<60x512xf32, #tpu.memory_space<vmem>>, vector<1x512xf32>
    %add3A_50 = arith.addf %get3A_43, %get3A_49 : vector<1x512xf32>
    %get3A_51 = arith.constant 13 : index
    %get3A_52 = arith.constant 0 : index
    %get3A_53 = vector.load %arg1[%get3A_51, %get3A_52] : memref<60x512xf32, #tpu.memory_space<vmem>>, vector<1x512xf32>
    %add3A_54 = arith.addf %get3A_46, %get3A_53 : vector<1x512xf32>
    %get3A_55 = arith.constant 14 : index
    %get3A_56 = arith.constant 0 : index
    %get3A_57 = vector.load %arg1[%get3A_55, %get3A_56] : memref<60x512xf32, #tpu.memory_space<vmem>>, vector<1x512xf32>
    %add3A_58 = arith.addf %add3A_50, %get3A_57 : vector<1x512xf32>
    %get3A_59 = arith.constant 15 : index
    %get3A_60 = arith.constant 0 : index
    %get3A_61 = vector.load %arg1[%get3A_59, %get3A_60] : memref<60x512xf32, #tpu.memory_space<vmem>>, vector<1x512xf32>
    %add3A_62 = arith.addf %add3A_54, %get3A_61 : vector<1x512xf32>
    %get3A_63 = arith.constant 16 : index
    %get3A_64 = arith.constant 0 : index
    %get3A_65 = vector.load %arg1[%get3A_63, %get3A_64] : memref<60x512xf32, #tpu.memory_space<vmem>>, vector<1x512xf32>
    %add3A_66 = arith.addf %add3A_58, %get3A_65 : vector<1x512xf32>
    %get3A_67 = arith.constant 17 : index
    %get3A_68 = arith.constant 0 : index
    %get3A_69 = vector.load %arg1[%get3A_67, %get3A_68] : memref<60x512xf32, #tpu.memory_space<vmem>>, vector<1x512xf32>
    %add3A_70 = arith.addf %add3A_62, %get3A_69 : vector<1x512xf32>
    %get3A_71 = arith.constant 18 : index
    %get3A_72 = arith.constant 0 : index
    %get3A_73 = vector.load %arg1[%get3A_71, %get3A_72] : memref<60x512xf32, #tpu.memory_space<vmem>>, vector<1x512xf32>
    %add3A_74 = arith.addf %add3A_66, %get3A_73 : vector<1x512xf32>
    %get3A_75 = arith.constant 19 : index
    %get3A_76 = arith.constant 0 : index
    %get3A_77 = vector.load %arg1[%get3A_75, %get3A_76] : memref<60x512xf32, #tpu.memory_space<vmem>>, vector<1x512xf32>
    %add3A_78 = arith.addf %add3A_70, %get3A_77 : vector<1x512xf32>
    %add3A_79 = arith.constant 1.000000e-16 : f32
    %add3A_80 = vector.broadcast %add3A_79 : f32 to vector<1x512xf32>
    %add3A_81 = arith.addf %add3A_78, %add3A_80 : vector<1x512xf32>
    %div3A_82 = arith.divf %add3A_74, %add3A_81 : vector<1x512xf32>
    %add3A_83 = arith.addf %add3A_40, %div3A_82 : vector<1x512xf32>
    %get3A_84 = arith.constant 20 : index
    %get3A_85 = arith.constant 0 : index
    %get3A_86 = vector.load %arg1[%get3A_84, %get3A_85] : memref<60x512xf32, #tpu.memory_space<vmem>>, vector<1x512xf32>
    %get3A_87 = arith.constant 21 : index
    %get3A_88 = arith.constant 0 : index
    %get3A_89 = vector.load %arg1[%get3A_87, %get3A_88] : memref<60x512xf32, #tpu.memory_space<vmem>>, vector<1x512xf32>
    %get3A_90 = arith.constant 22 : index
    %get3A_91 = arith.constant 0 : index
    %get3A_92 = vector.load %arg1[%get3A_90, %get3A_91] : memref<60x512xf32, #tpu.memory_space<vmem>>, vector<1x512xf32>
    %add3A_93 = arith.addf %get3A_86, %get3A_92 : vector<1x512xf32>
    %get3A_94 = arith.constant 23 : index
    %get3A_95 = arith.constant 0 : index
    %get3A_96 = vector.load %arg1[%get3A_94, %get3A_95] : memref<60x512xf32, #tpu.memory_space<vmem>>, vector<1x512xf32>
    %add3A_97 = arith.addf %get3A_89, %get3A_96 : vector<1x512xf32>
    %get3A_98 = arith.constant 24 : index
    %get3A_99 = arith.constant 0 : index
    %get3A_100 = vector.load %arg1[%get3A_98, %get3A_99] : memref<60x512xf32, #tpu.memory_space<vmem>>, vector<1x512xf32>
    %add3A_101 = arith.addf %add3A_93, %get3A_100 : vector<1x512xf32>
    %get3A_102 = arith.constant 25 : index
    %get3A_103 = arith.constant 0 : index
    %get3A_104 = vector.load %arg1[%get3A_102, %get3A_103] : memref<60x512xf32, #tpu.memory_space<vmem>>, vector<1x512xf32>
    %add3A_105 = arith.addf %add3A_97, %get3A_104 : vector<1x512xf32>
    %get3A_106 = arith.constant 26 : index
    %get3A_107 = arith.constant 0 : index
    %get3A_108 = vector.load %arg1[%get3A_106, %get3A_107] : memref<60x512xf32, #tpu.memory_space<vmem>>, vector<1x512xf32>
    %add3A_109 = arith.addf %add3A_101, %get3A_108 : vector<1x512xf32>
    %get3A_110 = arith.constant 27 : index
    %get3A_111 = arith.constant 0 : index
    %get3A_112 = vector.load %arg1[%get3A_110, %get3A_111] : memref<60x512xf32, #tpu.memory_space<vmem>>, vector<1x512xf32>
    %add3A_113 = arith.addf %add3A_105, %get3A_112 : vector<1x512xf32>
    %get3A_114 = arith.constant 28 : index
    %get3A_115 = arith.constant 0 : index
    %get3A_116 = vector.load %arg1[%get3A_114, %get3A_115] : memref<60x512xf32, #tpu.memory_space<vmem>>, vector<1x512xf32>
    %add3A_117 = arith.addf %add3A_109, %get3A_116 : vector<1x512xf32>
    %get3A_118 = arith.constant 29 : index
    %get3A_119 = arith.constant 0 : index
    %get3A_120 = vector.load %arg1[%get3A_118, %get3A_119] : memref<60x512xf32, #tpu.memory_space<vmem>>, vector<1x512xf32>
    %add3A_121 = arith.addf %add3A_113, %get3A_120 : vector<1x512xf32>
    %add3A_122 = arith.constant 1.000000e-16 : f32
    %add3A_123 = vector.broadcast %add3A_122 : f32 to vector<1x512xf32>
    %add3A_124 = arith.addf %add3A_121, %add3A_123 : vector<1x512xf32>
    %div3A_125 = arith.divf %add3A_117, %add3A_124 : vector<1x512xf32>
    %add3A_126 = arith.addf %add3A_83, %div3A_125 : vector<1x512xf32>
    %get3A_127 = arith.constant 30 : index
    %get3A_128 = arith.constant 0 : index
    %get3A_129 = vector.load %arg1[%get3A_127, %get3A_128] : memref<60x512xf32, #tpu.memory_space<vmem>>, vector<1x512xf32>
    %get3A_130 = arith.constant 31 : index
    %get3A_131 = arith.constant 0 : index
    %get3A_132 = vector.load %arg1[%get3A_130, %get3A_131] : memref<60x512xf32, #tpu.memory_space<vmem>>, vector<1x512xf32>
    %get3A_133 = arith.constant 32 : index
    %get3A_134 = arith.constant 0 : index
    %get3A_135 = vector.load %arg1[%get3A_133, %get3A_134] : memref<60x512xf32, #tpu.memory_space<vmem>>, vector<1x512xf32>
    %add3A_136 = arith.addf %get3A_129, %get3A_135 : vector<1x512xf32>
    %get3A_137 = arith.constant 33 : index
    %get3A_138 = arith.constant 0 : index
    %get3A_139 = vector.load %arg1[%get3A_137, %get3A_138] : memref<60x512xf32, #tpu.memory_space<vmem>>, vector<1x512xf32>
    %add3A_140 = arith.addf %get3A_132, %get3A_139 : vector<1x512xf32>
    %get3A_141 = arith.constant 34 : index
    %get3A_142 = arith.constant 0 : index
    %get3A_143 = vector.load %arg1[%get3A_141, %get3A_142] : memref<60x512xf32, #tpu.memory_space<vmem>>, vector<1x512xf32>
    %add3A_144 = arith.addf %add3A_136, %get3A_143 : vector<1x512xf32>
    %get3A_145 = arith.constant 35 : index
    %get3A_146 = arith.constant 0 : index
    %get3A_147 = vector.load %arg1[%get3A_145, %get3A_146] : memref<60x512xf32, #tpu.memory_space<vmem>>, vector<1x512xf32>
    %add3A_148 = arith.addf %add3A_140, %get3A_147 : vector<1x512xf32>
    %get3A_149 = arith.constant 36 : index
    %get3A_150 = arith.constant 0 : index
    %get3A_151 = vector.load %arg1[%get3A_149, %get3A_150] : memref<60x512xf32, #tpu.memory_space<vmem>>, vector<1x512xf32>
    %add3A_152 = arith.addf %add3A_144, %get3A_151 : vector<1x512xf32>
    %get3A_153 = arith.constant 37 : index
    %get3A_154 = arith.constant 0 : index
    %get3A_155 = vector.load %arg1[%get3A_153, %get3A_154] : memref<60x512xf32, #tpu.memory_space<vmem>>, vector<1x512xf32>
    %add3A_156 = arith.addf %add3A_148, %get3A_155 : vector<1x512xf32>
    %get3A_157 = arith.constant 38 : index
    %get3A_158 = arith.constant 0 : index
    %get3A_159 = vector.load %arg1[%get3A_157, %get3A_158] : memref<60x512xf32, #tpu.memory_space<vmem>>, vector<1x512xf32>
    %add3A_160 = arith.addf %add3A_152, %get3A_159 : vector<1x512xf32>
    %get3A_161 = arith.constant 39 : index
    %get3A_162 = arith.constant 0 : index
    %get3A_163 = vector.load %arg1[%get3A_161, %get3A_162] : memref<60x512xf32, #tpu.memory_space<vmem>>, vector<1x512xf32>
    %add3A_164 = arith.addf %add3A_156, %get3A_163 : vector<1x512xf32>
    %add3A_165 = arith.constant 1.000000e-16 : f32
    %add3A_166 = vector.broadcast %add3A_165 : f32 to vector<1x512xf32>
    %add3A_167 = arith.addf %add3A_164, %add3A_166 : vector<1x512xf32>
    %div3A_168 = arith.divf %add3A_160, %add3A_167 : vector<1x512xf32>
    %add3A_169 = arith.addf %add3A_126, %div3A_168 : vector<1x512xf32>
    %get3A_170 = arith.constant 40 : index
    %get3A_171 = arith.constant 0 : index
    %get3A_172 = vector.load %arg1[%get3A_170, %get3A_171] : memref<60x512xf32, #tpu.memory_space<vmem>>, vector<1x512xf32>
    %get3A_173 = arith.constant 41 : index
    %get3A_174 = arith.constant 0 : index
    %get3A_175 = vector.load %arg1[%get3A_173, %get3A_174] : memref<60x512xf32, #tpu.memory_space<vmem>>, vector<1x512xf32>
    %get3A_176 = arith.constant 42 : index
    %get3A_177 = arith.constant 0 : index
    %get3A_178 = vector.load %arg1[%get3A_176, %get3A_177] : memref<60x512xf32, #tpu.memory_space<vmem>>, vector<1x512xf32>
    %add3A_179 = arith.addf %get3A_172, %get3A_178 : vector<1x512xf32>
    %get3A_180 = arith.constant 43 : index
    %get3A_181 = arith.constant 0 : index
    %get3A_182 = vector.load %arg1[%get3A_180, %get3A_181] : memref<60x512xf32, #tpu.memory_space<vmem>>, vector<1x512xf32>
    %add3A_183 = arith.addf %get3A_175, %get3A_182 : vector<1x512xf32>
    %get3A_184 = arith.constant 44 : index
    %get3A_185 = arith.constant 0 : index
    %get3A_186 = vector.load %arg1[%get3A_184, %get3A_185] : memref<60x512xf32, #tpu.memory_space<vmem>>, vector<1x512xf32>
    %add3A_187 = arith.addf %add3A_179, %get3A_186 : vector<1x512xf32>
    %get3A_188 = arith.constant 45 : index
    %get3A_189 = arith.constant 0 : index
    %get3A_190 = vector.load %arg1[%get3A_188, %get3A_189] : memref<60x512xf32, #tpu.memory_space<vmem>>, vector<1x512xf32>
    %add3A_191 = arith.addf %add3A_183, %get3A_190 : vector<1x512xf32>
    %get3A_192 = arith.constant 46 : index
    %get3A_193 = arith.constant 0 : index
    %get3A_194 = vector.load %arg1[%get3A_192, %get3A_193] : memref<60x512xf32, #tpu.memory_space<vmem>>, vector<1x512xf32>
    %add3A_195 = arith.addf %add3A_187, %get3A_194 : vector<1x512xf32>
    %get3A_196 = arith.constant 47 : index
    %get3A_197 = arith.constant 0 : index
    %get3A_198 = vector.load %arg1[%get3A_196, %get3A_197] : memref<60x512xf32, #tpu.memory_space<vmem>>, vector<1x512xf32>
    %add3A_199 = arith.addf %add3A_191, %get3A_198 : vector<1x512xf32>
    %get3A_200 = arith.constant 48 : index
    %get3A_201 = arith.constant 0 : index
    %get3A_202 = vector.load %arg1[%get3A_200, %get3A_201] : memref<60x512xf32, #tpu.memory_space<vmem>>, vector<1x512xf32>
    %add3A_203 = arith.addf %add3A_195, %get3A_202 : vector<1x512xf32>
    %get3A_204 = arith.constant 49 : index
    %get3A_205 = arith.constant 0 : index
    %get3A_206 = vector.load %arg1[%get3A_204, %get3A_205] : memref<60x512xf32, #tpu.memory_space<vmem>>, vector<1x512xf32>
    %add3A_207 = arith.addf %add3A_199, %get3A_206 : vector<1x512xf32>
    %add3A_208 = arith.constant 1.000000e-16 : f32
    %add3A_209 = vector.broadcast %add3A_208 : f32 to vector<1x512xf32>
    %add3A_210 = arith.addf %add3A_207, %add3A_209 : vector<1x512xf32>
    %div3A_211 = arith.divf %add3A_203, %add3A_210 : vector<1x512xf32>
    %add3A_212 = arith.addf %add3A_169, %div3A_211 : vector<1x512xf32>
    %get3A_213 = arith.constant 50 : index
    %get3A_214 = arith.constant 0 : index
    %get3A_215 = vector.load %arg1[%get3A_213, %get3A_214] : memref<60x512xf32, #tpu.memory_space<vmem>>, vector<1x512xf32>
    %get3A_216 = arith.constant 51 : index
    %get3A_217 = arith.constant 0 : index
    %get3A_218 = vector.load %arg1[%get3A_216, %get3A_217] : memref<60x512xf32, #tpu.memory_space<vmem>>, vector<1x512xf32>
    %get3A_219 = arith.constant 52 : index
    %get3A_220 = arith.constant 0 : index
    %get3A_221 = vector.load %arg1[%get3A_219, %get3A_220] : memref<60x512xf32, #tpu.memory_space<vmem>>, vector<1x512xf32>
    %add3A_222 = arith.addf %get3A_215, %get3A_221 : vector<1x512xf32>
    %get3A_223 = arith.constant 53 : index
    %get3A_224 = arith.constant 0 : index
    %get3A_225 = vector.load %arg1[%get3A_223, %get3A_224] : memref<60x512xf32, #tpu.memory_space<vmem>>, vector<1x512xf32>
    %add3A_226 = arith.addf %get3A_218, %get3A_225 : vector<1x512xf32>
    %get3A_227 = arith.constant 54 : index
    %get3A_228 = arith.constant 0 : index
    %get3A_229 = vector.load %arg1[%get3A_227, %get3A_228] : memref<60x512xf32, #tpu.memory_space<vmem>>, vector<1x512xf32>
    %add3A_230 = arith.addf %add3A_222, %get3A_229 : vector<1x512xf32>
    %get3A_231 = arith.constant 55 : index
    %get3A_232 = arith.constant 0 : index
    %get3A_233 = vector.load %arg1[%get3A_231, %get3A_232] : memref<60x512xf32, #tpu.memory_space<vmem>>, vector<1x512xf32>
    %add3A_234 = arith.addf %add3A_226, %get3A_233 : vector<1x512xf32>
    %get3A_235 = arith.constant 56 : index
    %get3A_236 = arith.constant 0 : index
    %get3A_237 = vector.load %arg1[%get3A_235, %get3A_236] : memref<60x512xf32, #tpu.memory_space<vmem>>, vector<1x512xf32>
    %add3A_238 = arith.addf %add3A_230, %get3A_237 : vector<1x512xf32>
    %get3A_239 = arith.constant 57 : index
    %get3A_240 = arith.constant 0 : index
    %get3A_241 = vector.load %arg1[%get3A_239, %get3A_240] : memref<60x512xf32, #tpu.memory_space<vmem>>, vector<1x512xf32>
    %add3A_242 = arith.addf %add3A_234, %get3A_241 : vector<1x512xf32>
    %get3A_243 = arith.constant 58 : index
    %get3A_244 = arith.constant 0 : index
    %get3A_245 = vector.load %arg1[%get3A_243, %get3A_244] : memref<60x512xf32, #tpu.memory_space<vmem>>, vector<1x512xf32>
    %add3A_246 = arith.addf %add3A_238, %get3A_245 : vector<1x512xf32>
    %get3A_247 = arith.constant 59 : index
    %get3A_248 = arith.constant 0 : index
    %get3A_249 = vector.load %arg1[%get3A_247, %get3A_248] : memref<60x512xf32, #tpu.memory_space<vmem>>, vector<1x512xf32>
    %add3A_250 = arith.addf %add3A_242, %get3A_249 : vector<1x512xf32>
    %add3A_251 = arith.constant 1.000000e-16 : f32
    %add3A_252 = vector.broadcast %add3A_251 : f32 to vector<1x512xf32>
    %add3A_253 = arith.addf %add3A_250, %add3A_252 : vector<1x512xf32>
    %div3A_254 = arith.divf %add3A_246, %add3A_253 : vector<1x512xf32>
    %add3A_255 = arith.addf %add3A_212, %div3A_254 : vector<1x512xf32>
    %get3A_256 = arith.constant 0 : index
    %get3A_257 = arith.constant 0 : index
    %get3A_258 = arith.constant 0 : index
    %get3A_259 = vector.load %arg2[%get3A_256, %get3A_257, %get3A_258] : memref<1x1x512xf32, #tpu.memory_space<vmem>>, vector<1x1x512xf32>
    %get3A_260 = vector.shape_cast %get3A_259 : vector<1x1x512xf32> to vector<1x512xf32>
    %mul3A = arith.constant 0.166666672 : f32
    %mul3A_261 = vector.broadcast %mul3A : f32 to vector<1x512xf32>
    %mul3A_262 = arith.mulf %add3A_255, %mul3A_261 : vector<1x512xf32>
    %add3A_263 = arith.addf %get3A_260, %mul3A_262 : vector<1x512xf32>
    %neg3A = arith.constant 0.000000e+00 : f32
    %neg3A_264 = vector.broadcast %neg3A : f32 to vector<1x512xf32>
    %neg3A_265 = arith.subf %neg3A_264, %add3A_263 : vector<1x512xf32>
    %exp3A = math.exp %neg3A_265 : vector<1x512xf32>
    %add3A_266 = arith.constant 1.000000e+00 : f32
    %add3A_267 = vector.broadcast %add3A_266 : f32 to vector<1x512xf32>
    %add3A_268 = arith.addf %add3A_267, %exp3A : vector<1x512xf32>
    %div3A_269 = arith.constant 1.000000e+00 : f32
    %div3A_270 = vector.broadcast %div3A_269 : f32 to vector<1x512xf32>
    %div3A_271 = arith.divf %div3A_270, %add3A_268 : vector<1x512xf32>
    %broadcast_in_dim3A_272 = vector.shape_cast %div3A_271 : vector<1x512xf32> to vector<1x1x512xf32>
    %swap3A = arith.constant 0 : index
    %swap3A_273 = arith.constant 0 : index
    %swap3A_274 = arith.constant 0 : index
    %swap3A_275 = vector.load %arg3[%swap3A, %swap3A_273, %swap3A_274] : memref<1x1x512xf32, #tpu.memory_space<vmem>>, vector<1x1x512xf32>
    tpu.vector_store %arg3[%swap3A, %swap3A_273, %swap3A_274], %broadcast_in_dim3A_272 {strides = array<i32>} : memref<1x1x512xf32, #tpu.memory_space<vmem>>, vector<1x1x512xf32>,
    return
  }
  func.func @transform_0(%arg0: i32) -> (i32, i32) {
    %c0_i32 = arith.constant 0 : i32
    %c0_i32_0 = arith.constant 0 : i32
    return %c0_i32, %arg0 : i32, i32
  }
  func.func @transform_1(%arg0: i32) -> (i32, i32, i32) {
    %c0_i32 = arith.constant 0 : i32
    %c0_i32_0 = arith.constant 0 : i32
    %c0_i32_1 = arith.constant 0 : i32
    return %arg0, %c0_i32, %c0_i32_0 : i32, i32, i32
  }
  func.func @transform_2(%arg0: i32) -> (i32, i32, i32) {
    %c0_i32 = arith.constant 0 : i32
    %c0_i32_0 = arith.constant 0 : i32
    %c0_i32_1 = arith.constant 0 : i32
    return %arg0, %c0_i32, %c0_i32_0 : i32, i32, i32
  }
}

</mosaic_0001>

<sc_bundles>
// kernel: kernel.5.cloned.1.call-start
scs
__scs_entry_jumppad:
0x0: {  	(pc) =	sbr.rel $0x88, $3  }
0x1: {  	(tag) =	ssettag $0x0;
	lr =	simm.s32 $0x1  }
0x2: {  	[smem:$0x3F94] =	sst lr;
	_ =	strace $0xD0000000  }
0x3: {  	_ = 	snop  }
0x4: {  	_ = 	snop  }
0x5: {  	_ = 	snop  }
0x6: {  	_ = 	snop  }
0x7: {  	_ = 	snop  }
__scs_overlays_trampoline_lowered:
0x8: {  	[smem:$0x3FA3] =	sst s0  }
0x9: {  	[smem:$0x3FA4] =	sst s1  }
0xa: {  	[smem:$0x3FA5] =	sst s2  }
0xb: {  	[smem:$0x3FA6] =	sst s3  }
0xc: {  	[smem:$0x3FA7] =	sst s4  }
0xd: {  	[smem:$0x3FA8] =	sst s5  }
0xe: {  	[smem:$0x3FA9] =	sst s6  }
0xf: {  	[smem:$0x3FAA] =	sst s7  }
0x10: {  	[smem:$0x3FAB] =	sst s8  }
0x11: {  	[smem:$0x3FAC] =	sst s9;
	s0 =	simm.s32 @!p0 $0x0  }
0x12: {  	s1 =	sld [smem:$0x3F92];
	s0 =	simm.s32 @p0 $0x1  }
0x13: {  	[smem:$0x3FAD] =	sst s0;
	s0 =	simm.s32 @!p1 $0x0  }
0x14: {  	s2 =	sld [smem:$0x3F91];
	s0 =	simm.s32 @p1 $0x1  }
0x15: {  	[smem:$0x3FAE] =	sst s0;
	s0 =	simm.s32 @!p2 $0x0  }
0x16: {  	s3 =	sld [smem:$0x3FDB];
	s0 =	simm.s32 @p2 $0x1  }
0x17: {  	s4 =	simm.s32 $0x1BF5;
	[smem:$0x3FB0] =	sst s0  }
0x18: {  	s0 =	sld [smem:$0x3F93];
	_ =	swait.ge [sflag:s4], $0x0  }
0x19: {  	s7 =	sld [smem:$0x3F94]  }
0x1a: {  	s8 =	sadd.s32 $0xFFFFE003, lr  }
0x1b: {  	s9 =	sadd.s32 $0xFFFFFEF7, lr;
	s5 =	simm.s32 $0xFFFFFFFF;
	p2 =	slt.u32 s8, $0xFFFFF086  }
0x1c: {  	p1 =	slt.u32 s9, $0xF7A;
	s5 =	simm.s32 @!p2 $0x0  }
0x1d: {  	s5 =	simm.s32 @p1 $0x1;
	p0 =	seq.s32 s7, s2  }
0x1e: {  	s7 =	smul.u32 @!p0 $0xF7A, s2;
	p2 =	seq.s32 @!p0 s5, $0x0  }
0x1f: {  	s9 =	smul.u32 $0xF7A, s1;
	s8 =	simm.s32 @!p0 $0x1BF5;
	p2 =	por !p2, p0  }
0x20: {  	[sflag:s8] =	ssyncset.s32 @!p0 $0xFFFFF086;
	s6 =	sadd.s32 @!p0 s3, s7;
	s7 =	simm.s32 @!p0 $0x108  }
0x21: {  	s3 =	sadd.s32 s3, s9;
	s6 =	sadd.s32 @!p0 $0x88, s6;
	s7 =	simm.s32 @p2 $0x1082  }
0x22: {  	[simem:s7], [sflag:s8] =	dma.local @!p0 [hbm:s6], $0xF7A  }
0x23: {  	s9 =	sor.u32 $0xD0000000, s2;
	s6 =	simm.s32 $0x108;
	_ =	swait.ge @!p0 [sflag:s8], $0x0  }
0x24: {  	s3 =	sadd.s32 $0x88, s3;
	s6 =	simm.s32 @!p1 $0x1082;
	[sflag:s4] =	ssyncset.s32 $0xFFFFF086  }
0x25: {  	[simem:s6], [sflag:s4] =	dma.local [hbm:s3], $0xF7A  }
0x26: {  	[smem:$0x3F94] =	sst s1;
	(tag) =	ssettag s2;
	_ =	strace s9  }
0x27: {  	s1 =	sld [smem:$0x3FA4]  }
0x28: {  	s2 =	sld [smem:$0x3FA5]  }
0x29: {  	s4 =	sld [smem:$0x3FA7]  }
0x2a: {  	p0 =	seq.s32 s5, $0x0;
	s5 =	sld [smem:$0x3FA8]  }
0x2b: {  	s6 =	sld [smem:$0x3FA9]  }
0x2c: {  	s7 =	sld [smem:$0x3FAA]  }
0x2d: {  	s3 =	simm.s32 $0x108;
	s8 =	sld [smem:$0x3FAB]  }
0x2e: {  	s3 =	simm.s32 @!p0 $0x1082;
	s9 =	sld [smem:$0x3FAC]  }
0x2f: {  	lr =	sadd.s32 s0, s3;
	s0 =	sld [smem:$0x3FA3]  }
0x30: {  	s3 =	sld [smem:$0x3FA6]  }
0x31: {  	[smem:$0x3FAF] =	sst s10  }
0x32: {  	s10 =	sld [smem:$0x3FAD];
	_ =	sdelay $0x3  }
0x33: {  	p0 =	seq.s32 s10, $0x1;
	s10 =	sld [smem:$0x3FAF];
	_ =	sdelay $0x3  }
0x34: {  	[smem:$0x3FAF] =	sst s10  }
0x35: {  	s10 =	sld [smem:$0x3FAE];
	_ =	sdelay $0x3  }
0x36: {  	p1 =	seq.s32 s10, $0x1;
	s10 =	sld [smem:$0x3FAF];
	_ =	sdelay $0x3  }
0x37: {  	[smem:$0x3FAF] =	sst s10  }
0x38: {  	s10 =	sld [smem:$0x3FB0]  }
0x39: {  	_ = 	snop;
	(pc) =	sbr.ind lr, $3  }
0x3a: {  	_ = 	snop  }
0x3b: {  	_ = 	snop  }
0x3c: {  	p2 =	seq.s32 s10, $0x1;
	s10 =	sld [smem:$0x3FAF]  }
0x3d: {  	_ =	shalt  }
0x3e: {  	_ =	shalt  }
0x3f: {  	_ =	shalt  }
0x40: {  	_ =	shalt  }
0x41: {  	_ =	shalt  }
0x42: {  	_ =	shalt  }
0x43: {  	_ =	shalt  }
0x44: {  	_ =	shalt  }
0x45: {  	_ =	shalt  }
0x46: {  	_ =	shalt  }
0x47: {  	_ =	shalt  }
0x48: {  	_ =	shalt  }
0x49: {  	_ =	shalt  }
0x4a: {  	_ =	shalt  }
0x4b: {  	_ =	shalt  }
0x4c: {  	_ =	shalt  }
0x4d: {  	_ =	shalt  }
0x4e: {  	_ =	shalt  }
0x4f: {  	_ =	shalt  }
0x50: {  	_ =	shalt  }
0x51: {  	_ =	shalt  }
0x52: {  	_ =	shalt  }
0x53: {  	_ =	shalt  }
0x54: {  	_ =	shalt  }
0x55: {  	_ =	shalt  }
0x56: {  	_ =	shalt  }
0x57: {  	_ =	shalt  }
0x58: {  	_ =	shalt  }
0x59: {  	_ =	shalt  }
0x5a: {  	_ =	shalt  }
0x5b: {  	_ =	shalt  }
0x5c: {  	_ =	shalt  }
0x5d: {  	_ =	shalt  }
0x5e: {  	_ =	shalt  }
0x5f: {  	_ =	shalt  }
0x60: {  	_ =	shalt  }
0x61: {  	_ =	shalt  }
0x62: {  	_ =	shalt  }
0x63: {  	_ =	shalt  }
0x64: {  	_ =	shalt  }
0x65: {  	_ =	shalt  }
0x66: {  	_ =	shalt  }
0x67: {  	_ =	shalt  }
0x68: {  	_ =	shalt  }
0x69: {  	_ =	shalt  }
0x6a: {  	_ =	shalt  }
0x6b: {  	_ =	shalt  }
0x6c: {  	_ =	shalt  }
0x6d: {  	_ =	shalt  }
0x6e: {  	_ =	shalt  }
0x6f: {  	_ =	shalt  }
0x70: {  	_ =	shalt  }
0x71: {  	_ =	shalt  }
0x72: {  	_ =	shalt  }
0x73: {  	_ =	shalt  }
0x74: {  	_ =	shalt  }
0x75: {  	_ =	shalt  }
0x76: {  	_ =	shalt  }
0x77: {  	_ =	shalt  }
0x78: {  	_ =	shalt  }
0x79: {  	_ =	shalt  }
0x7a: {  	_ =	shalt  }
0x7b: {  	_ =	shalt  }
0x7c: {  	_ =	shalt  }
0x7d: {  	_ =	shalt  }
0x7e: {  	_ =	shalt  }
0x7f: {  	_ =	shalt  }
0x80: {  	_ =	shalt  }
0x81: {  	_ =	shalt  }
0x82: {  	_ =	shalt  }
0x83: {  	_ =	shalt  }
0x84: {  	_ =	shalt  }
0x85: {  	_ =	shalt  }
0x86: {  	_ =	shalt  }
0x87: {  	_ =	shalt  }
.Lfunc_end0:
.L_simem_size_0:
called_computation_lowered:
.L_overlay_start_0:
0x88: {  	s2 =	sld [smem:$0x3FD9]  }
0x89: {  	s3 =	sld [smem:$0x3FFE];
	_ =	sdelay $0x1  }
0x8a: {  	s1 =	srdreg.scid  }
0x8b: {  	s0 =	sand.u32 $0x1, s1  }
0x8c: {  	s17 =	sshll.u32 s0, $0xA;
	s2 =	sadd.s32 s3, s2  }
0x8d: {  	s2 =	sadd.s32 s2, s17  }
0x8e: {  	[smem:$0x3FBB] =	sst s2  }
0x8f: {  	_ = 	snop  }
0x90: {  	s2 =	sld [smem:$0x3FC8];
	(tm) =	ssettm $0x1  }
0x91: {  	s18 =	sld [smem:$0x3FFB];
	_ =	sdelay $0x3  }
0x92: {  	_ =	strace s18  }
0x93: {  	s3 =	sld [smem:$0x3FFC];
	_ =	sdelay $0x3  }
0x94: {  	_ =	strace s3  }
0x95: {  	s3 =	sld [smem:$0x3FFD];
	_ =	sdelay $0x3  }
0x96: {  	_ =	strace s3  }
0x97: {  	_ =	strace $0x8FFFFFFF  }
0x98: {  	s19 =	sld [smem:$0x3FDB];
	_ =	sdelay $0x1  }
0x99: {  	s4 =	simm.s32 $_scs_section_size  }
0x9a: {  	s5 =	simm.s32 $_size__tile_overlayer_lowered;
	s6 =	simm.s32 $_tile_overlayer_lowered  }
0x9b: {  	s22 =	simm.s32 $0x1BFF;
	s21 =	sshll.u32 s6, $0x1;
	s3 =	sadd.s32 s4, s19  }
0x9c: {  	s7 =	simm.s32 $0x0;
	s20 =	sshll.u32 s5, $0x1;
	s5 =	sadd.s32 s21, s3  }
0x9d: {  	[timem:s7], [sflag:s22] =	dma.local [hbm:s5], s20  }
0x9e: {  	_ =	swait.ge [sflag:s22], s20  }
0x9f: {  	s4 =	ssub.s32 $0x0, s20;
	[sflag:s22] =	ssyncset.done $0x0  }
0xa0: {  	[sflag:s22] =	ssyncadd.s32 s4;
	_ =	sdelay $0x1  }
0xa1: {  	s23 =	simm.s32 $0x1B8B  }
0xa2: {  	_ =	swait.ge [sflag:s23], $0x1  }
0xa3: {  	[sflag:s23] =	ssyncset.done $0x0  }
0xa4: {  	s25 =	simm.s32 $0x1B8E;
	s24 =	sld [smem:$0x3FFE];
	[sflag:s23] =	ssyncadd.s32 $0xFFFFFFFF  }
0xa5: {  	s26 =	simm.s32 $execute0_lowered;
	[smem:$0x3FD2] =	sst s25  }
0xa6: {  	s5 =	sshll.u32 s26, $0x1;
	_ =	strace $0x80000046;
	[dreg:$0x1] =	wrdreg $0xFFFFFFFF  }
0xa7: {  	s28 =	simm.s32 $_size_execute0_lowered;
	s3 =	sadd.s32 s3, s5;
	[dreg:$0x0] =	wrdreg $0x0  }
0xa8: {  	s5 =	sshll.u32 s28, $0x1;
	[dreg:$0x2] =	wrdreg s3  }
0xa9: {  	[dreg:$0x3] =	wrdreg s5  }
0xaa: {  	[dreg:$0x4] =	wrdreg $0xC0  }
0xab: {  	_ =	task [dreg:s7], $0x5FFFF  }
0xac: {  	[dreg:$0x1] =	wrdreg $0xFFFFFFFF  }
0xad: {  	[dreg:$0x0] =	wrdreg $0x60  }
0xae: {  	[dreg:$0x2] =	wrdreg s24  }
0xaf: {  	[dreg:$0x3] =	wrdreg s2  }
0xb0: {  	[dreg:$0x4] =	wrdreg $0x9  }
0xb1: {  	_ =	task.clear_ibuf [dreg:s7], $0x5FFFF;
	_ =	strace $0x90000046  }
0xb2: {  	s29 =	simm.s32 $0x9;
	_ =	strace $0x80000048  }
0xb3: {  	_ =	swait.ge [sflag:s29], $0x1  }
0xb4: {  	[sflag:s29] =	ssyncadd.s32 $0xFFFFFFFF  }
0xb5: {  	_ =	strace $0x90000048  }
0xb6: {  	_ =	sfence  }
0xb7: {  	s30 =	sld [smem:$0x0];
	_ =	sdelay $0x2  }
0xb8: {  	s31 =	sshll.u32 s1, $0xD;
	s1 =	sshrl.u32 s1, $0x2  }
0xb9: {  	s3 =	sand.u32 $0x4000, s31;
	s1 =	sadd.s32 s1, s30  }
0xba: {  	s0 =	sor.u32 s3, s0;
	s1 =	sshll.u32 s1, $0x11  }
0xbb: {  	s0 =	sor.u32 s1, s0  }
0xbc: {  	s0 =	sadd.s32 $0x8F2B, s0  }
0xbd: {  	[sflag:s0] =	ssyncadd.remote.s32 $0x1  }
0xbe: {  	_ =	sfence.sel $0xFFFF  }
0xbf: {  	[dreg:$0x0] =	wrdreg $0xFFFFFFFF;
	(pc) =	sbr.abs _section_cstart, $3  }
0xc0: {  	[dreg:$0x1] =	wrdreg $0xFFFFFFFF  }
0xc1: {  	_ =	task.clear_ibuf [dreg:s7], $0x2FFFF;
	_ =	strace $0x9FFFFFFF  }
0xc2: {  	(tm) =	ssettm $0x7FFFFFFF  }
0xc3: {  	_ =	shalt  }
tec
execute0_lowered:
.L_overlay_start_1:
0x0: {  	(tag) =	ssettag $0x1  }
0x1: {  	s0 =	rddreg [dreg:$0x0];
	s1 =	srdreg.scid  }
0x2: {  	s16 =	stileid.u32;
	s22 =	rddreg [dreg:$0x1]  }
0x3: {  	s3 =	simm.s32 $0x0;
	s28 =	simm.s32 $0x7680;
	s29 =	simm.s32 $0x9E00  }
0x4: {  	s30 =	simm.s32 $0xED80;
	s31 =	simm.s32 $0xC580;
	s1 =	sand.u32 $0x1, s1  }
0x5: {  	s2 =	sshll.u32 s16, $0x1;
	[smem:$0x7FF] =	sst s3;
	s6 =	sadd.s32 $0x15800, s0  }
0x6: {  	s12 =	sadd.s32 $0x17FC0, s0;
	p0 =	seq.s32 s16, $0xF;
	s2 =	sor.u32 s1, s2  }
0x7: {  	s16 =	simm.s32 $0x1;
	s1 =	ssub.s32 $0x2, s1;
	s4 =	smul.u32 $0x34, s2  }
0x8: {  	_ =	strace $0x80000047;
	s5 =	smul.u32 $0xA00, s2;
	s18 =	sshrl.u32 s1, $0x1  }
0x9: {  	s7 =	smul.u32 $0x28, s2;
	s1 =	ssub.s32 s1, s18;
	s18 =	simm.s32 $0x400  }
0xa: {  	s8 =	sshrl.u32 s4, $0x8;
	s4 =	sadd.s32 $0x1800, s0;
	s11 =	sadd.s32 s5, s0  }
0xb: {  	s14 =	sadd.s32 s7, s0;
	s7 =	simm.s32 $0x13D80;
	s0 =	simm.s32 $0x0  }
0xc: {  	s9 =	smul.u32 $0xFFFFFFFB, s8;
	s10 =	sadd.s32 $0x6, s8;
	s19 =	sshll.u32 s8, $0x4  }
0xd: {  	s13 =	sadd.s32 $0x15200, s14;
	s14 =	sadd.s32 $0x32200, s14;
	s8 =	simm.s32 $0x13F00  }
0xe: {  	s15 =	sshrl.u32 s10, $0x3;
	s10 =	sshll.u32 s10, $0x7;
	s2 =	sadd.s32 s2, s9  }
0xf: {  	s17 =	smul.u32 $0x13C00, s15;
	s20 =	sand.u32 $0x380, s10;
	s10 =	sadd.s32 $0x1F600, s11  }
0x10: {  	s11 =	sadd.s32 $0x1F610, s11;
	s15 =	smax.u32 s1, $0x1;
	s1 =	simm.s32 $0x100  }
0x11: {  	s5 =	smul.u32 $0xFA00, s2;
	s2 =	sadd.s32 s6, s19;
	s19 =	simm.s32 $0x2780  }
0x12: {  	[dreg:$0x3] =	wrdreg s2;
	s21 =	sor.u32 s20, s17;
	s17 =	simm.s32 $0x80  }
0x13: {  	s20 =	simm.s32 $0x3;
	s23 =	sadd.s32 $0x4E200, s5;
	s2 =	sshrl.u32 s21, $0x3  }
0x14: {  	s24 =	sshrl.u32 s5, $0x3;
	s25 =	sshrl.u32 s23, $0x3;
	s2 =	sadd.s32 s6, s2  }
0x15: {  	s26 =	sadd.s32 s4, s24;
	s23 =	simm.s32 $0x4F00;
	[dreg:$0x4] =	wrdreg s2  }
0x16: {  	v0 =	vimm.f32 $0.0e+00;
	[dreg:$0x5] =	wrdreg s26;
	s9 =	sadd.s32 s4, s25;
	s26 =	simm.s32 $0x2  }
.LBB2_1:
.Ltmp0:
0x17: {  	(pc) =	sbr.rel @!p0 .LBB2_2-.Ltmp0, $2  }
0x18: {  	_ =	sdelay $0x2  }
0x19: {  	[tilespmem:s3], [sflag:$0x1] =	stream.linear.gather [hbm4b:s22+s3], $0x2780, $0x38;
	[tilespmem:$0x14080] =	vst v63  }
.Ltmp1:
0x1a: {  	(pc) =	sbr.rel .LBB2_10-.Ltmp1, $4  }
0x1b: {  	_ = 	snop  }
0x1c: {  	_ =	swait.ge [sflag:s16], $0x2780  }
0x1d: {  	[sflag:s16] =	ssyncset.done $0x0  }
0x1e: {  	[sflag:s16] =	ssyncadd.s32 $0xFFFFD880  }
.LBB2_2:
0x1f: {  	s2 =	rddreg [dreg:$0x3]  }
0x20: {  	[tilespmem:s19], [sflag:$0x1] =	stream.strided.gather [hbm4b:s2+s17], $0x2780, s18, s17, $0x38;
	[tilespmem:$0x14080] =	vst v63  }
0x21: {  	s6 =	rddreg [dreg:$0x4]  }
0x22: {  	[tilespmem:s23], [sflag:$0x1] =	stream.strided.gather [hbm4b:s6+s17], $0x2780, s18, s17, $0x38;
	[tilespmem:$0x14080] =	vst v63  }
0x23: {  	s7 =	rddreg [dreg:$0x5];
	s6 =	simm.s32 $0x11580  }
0x24: {  	[tilespmem:s6], [sflag:$0x2] =	stream.linear.gather [hbm4b:s7+s3], $0xA00, $0x38;
	[tilespmem:$0x14080] =	vst v63  }
0x25: {  	s21 =	simm.s32 $0x12980  }
0x26: {  	[tilespmem:s21], [sflag:$0x2] =	stream.linear.gather [hbm4b:s9+s3], $0xA00, $0x38;
	[tilespmem:$0x14080] =	vst v63  }
0x27: {  	_ =	swait.ge [sflag:s16], $0x2780  }
0x28: {  	[sflag:s16] =	ssyncset.done $0x0  }
0x29: {  	[sflag:s16] =	ssyncadd.s32 $0xFFFFD880  }
0x2a: {  	_ =	swait.ge [sflag:s16], $0x2780  }
0x2b: {  	[sflag:s16] =	ssyncset.done $0x0  }
0x2c: {  	[sflag:s16] =	ssyncadd.s32 $0xFFFFD880  }
0x2d: {  	_ =	swait.ge [sflag:s16], $0x2780  }
0x2e: {  	[sflag:s16] =	ssyncset.done $0x0  }
0x2f: {  	s8 =	smov.u32 s22;
	s22 =	simm.s32 $0x20;
	[sflag:s16] =	ssyncadd.s32 $0xFFFFD880  }
0x30: {  	v1 =	vld [tilespmem:s22+$0x20]  }
0x31: {  	v2 =	vld [tilespmem:s22+$0xFFFFFFF0]  }
0x32: {  	v4 =	vld [tilespmem:s22+$0xFFFFFFE0]  }
0x33: {  	v3 =	vld [tilespmem:s22+$0x0];
	_ =	sdelay $0x1  }
0x34: {  	v5 =	vld [tilespmem:s22+$0x10]  }
0x35: {  	s25 =	simm.s32 $0x70  }
0x36: {  	v61 =	vld [tilespmem:s25+$0x10]  }
0x37: {  	v6 =	vld.idx.msk [tilespmem:v1+s19+$0x0], $0xffff  }
0x38: {  	v7 =	vld.idx.msk [tilespmem:v2+s19+$0x0], $0xffff  }
0x39: {  	v9 =	vld.idx.msk [tilespmem:v4+s19+$0x0], $0xffff  }
0x3a: {  	v8 =	vld.idx.msk [tilespmem:v3+s19+$0x0], $0xffff  }
0x3b: {  	s24 =	simm.s32 $0x76A0;
	v62 =	vld [tilespmem:s25+$0xFFFFFFE0]  }
0x3c: {  	v10 =	vld.idx.msk [tilespmem:v5+s19+$0x0], $0xffff;
	[tilespmem:s24+$0x20] =	vst v6  }
0x3d: {  	[tilespmem:s24+$0xFFFFFFF0] =	vst v7;
	v1 =	vld.idx.msk [tilespmem:v1+s23+$0x0], $0xffff  }
0x3e: {  	[tilespmem:s24+$0xFFFFFFE0] =	vst v9;
	v2 =	vld.idx.msk [tilespmem:v2+s23+$0x0], $0xffff  }
0x3f: {  	[tilespmem:s24+$0x0] =	vst v8;
	v4 =	vld.idx.msk [tilespmem:v4+s23+$0x0], $0xffff  }
0x40: {  	v3 =	vld.idx.msk [tilespmem:v3+s23+$0x0], $0xffff  }
0x41: {  	s2 =	simm.s32 $0x9E20;
	[tilespmem:s24+$0x10] =	vst v10  }
0x42: {  	v6 =	vld [tilespmem:s25+$0x20];
	[tilespmem:s2+$0x20] =	vst v1  }
0x43: {  	v7 =	vld [tilespmem:s25+$0x0];
	[tilespmem:s2+$0xFFFFFFF0] =	vst v2  }
0x44: {  	v1 =	vld [tilespmem:s25+$0xFFFFFFF0];
	[tilespmem:s2+$0xFFFFFFE0] =	vst v4  }
0x45: {  	s21 =	simm.s32 $0xC5A0;
	v11 =	vld.idx.msk [tilespmem:v61+s19+$0x0], $0xffff;
	[tilespmem:s2+$0x0] =	vst v3  }
0x46: {  	v12 =	vld.idx.msk [tilespmem:v62+s19+$0x0], $0xffff;
	[tilespmem:s21+$0x20] =	vst v0  }
0x47: {  	[tilespmem:s21+$0xFFFFFFE0] =	vst v0  }
0x48: {  	[tilespmem:s21+$0xFFFFFFF0] =	vst v0  }
0x49: {  	v2 =	vld.idx.msk [tilespmem:v5+s23+$0x0], $0xffff;
	s25 =	simm.s32 $0x76F0;
	[tilespmem:s21+$0x0] =	vst v0  }
0x4a: {  	[tilespmem:s25+$0x10] =	vst v11;
	v4 =	vld.idx.msk [tilespmem:v6+s19+$0x0], $0xffff  }
0x4b: {  	s24 =	simm.s32 $0xEDA0;
	[tilespmem:s25+$0xFFFFFFE0] =	vst v12;
	v63 =	vld.idx.msk [tilespmem:v7+s19+$0x0], $0xffff  }
0x4c: {  	[tilespmem:s24+$0x20] =	vst v0;
	v5 =	vld.idx.msk [tilespmem:v1+s19+$0x0], $0xffff  }
0x4d: {  	[tilespmem:s24+$0xFFFFFFE0] =	vst v0  }
0x4e: {  	[tilespmem:s24+$0xFFFFFFF0] =	vst v0  }
0x4f: {  	[tilespmem:s25+$0x20] =	vst v4  }
0x50: {  	[tilespmem:s25+$0x0] =	vst v63;
	v4 =	vld.idx.msk [tilespmem:v62+s23+$0x0], $0xffff  }
0x51: {  	[tilespmem:s25+$0xFFFFFFF0] =	vst v5;
	v5 =	vld.idx.msk [tilespmem:v6+s23+$0x0], $0xffff  }
0x52: {  	[tilespmem:s2+$0x10] =	vst v2;
	v2 =	vld.idx.msk [tilespmem:v7+s23+$0x0], $0xffff  }
0x53: {  	[tilespmem:s24+$0x0] =	vst v0;
	v3 =	vld.idx.msk [tilespmem:v1+s23+$0x0], $0xffff  }
0x54: {  	s6 =	simm.s32 $0xC0;
	s22 =	simm.s32 $0x5;
	[tilespmem:s21+$0x10] =	vst v0;
	v1 =	vld.idx.msk [tilespmem:v61+s23+$0x0], $0xffff  }
.LBB2_3:
0x55: {  	v6 =	vld [tilespmem:s6+$0x20];
	[tilespmem:s24+$0x10] =	vst v0;
	s2 =	sadd.s32 $0x50, s2  }
0x56: {  	s21 =	sadd.s32 $0x50, s21;
	v7 =	vld [tilespmem:s6+$0xFFFFFFF0];
	[tilespmem:s2+$0x20] =	vst v5  }
0x57: {  	s22 =	sadd.s32 $0x5, s22;
	s24 =	sadd.s32 $0x50, s24;
	v8 =	vld [tilespmem:s6+$0x0];
	[tilespmem:s21+$0x20] =	vst v0  }
0x58: {  	p1 =	slt.u32 s22, $0x26C;
	v9 =	vld [tilespmem:s6+$0x10];
	[tilespmem:s24+$0x20] =	vst v0  }
0x59: {  	v10 =	vld [tilespmem:s6+$0xFFFFFFE0];
	[tilespmem:s2+$0xFFFFFFF0] =	vst v3  }
0x5a: {  	[tilespmem:s2+$0xFFFFFFE0] =	vst v4  }
0x5b: {  	[tilespmem:s21+$0xFFFFFFE0] =	vst v0  }
0x5c: {  	[tilespmem:s24+$0xFFFFFFE0] =	vst v0  }
0x5d: {  	v3 =	vld.idx.msk [tilespmem:v6+s19+$0x0], $0xffff;
	[tilespmem:s21+$0xFFFFFFF0] =	vst v0  }
0x5e: {  	v4 =	vld.idx.msk [tilespmem:v7+s19+$0x0], $0xffff;
	[tilespmem:s24+$0xFFFFFFF0] =	vst v0  }
0x5f: {  	v11 =	vld.idx.msk [tilespmem:v8+s19+$0x0], $0xffff;
	[tilespmem:s2+$0x0] =	vst v2  }
0x60: {  	v12 =	vld.idx.msk [tilespmem:v9+s19+$0x0], $0xffff;
	[tilespmem:s21+$0x0] =	vst v0  }
0x61: {  	v13 =	vld.idx.msk [tilespmem:v10+s19+$0x0], $0xffff;
	[tilespmem:s24+$0x0] =	vst v0  }
0x62: {  	s25 =	sadd.s32 $0x50, s25;
	[tilespmem:s2+$0x10] =	vst v1  }
0x63: {  	[tilespmem:s25+$0x20] =	vst v3  }
.Ltmp2:
0x64: {  	[tilespmem:s25+$0xFFFFFFF0] =	vst v4;
	v5 =	vld.idx.msk [tilespmem:v6+s23+$0x0], $0xffff;
	(pc) =	sbr.rel @p1 .LBB2_3-.Ltmp2, $4  }
0x65: {  	v3 =	vld.idx.msk [tilespmem:v7+s23+$0x0], $0xffff;
	[tilespmem:s25+$0x0] =	vst v11  }
0x66: {  	v2 =	vld.idx.msk [tilespmem:v8+s23+$0x0], $0xffff;
	[tilespmem:s25+$0x10] =	vst v12  }
0x67: {  	[tilespmem:s25+$0xFFFFFFE0] =	vst v13;
	v1 =	vld.idx.msk [tilespmem:v9+s23+$0x0], $0xffff  }
0x68: {  	s6 =	sadd.s32 $0x50, s6;
	v4 =	vld.idx.msk [tilespmem:v10+s23+$0x0], $0xffff;
	[tilespmem:s21+$0x10] =	vst v0  }
0x69: {  	[tilespmem:s24+$0x10] =	vst v0;
	s2 =	sadd.s32 $0x50, s2  }
0x6a: {  	[tilespmem:s2+$0x20] =	vst v5  }
0x6b: {  	s6 =	sadd.s32 $0x50, s21;
	[tilespmem:s2+$0xFFFFFFF0] =	vst v3  }
0x6c: {  	[tilespmem:s6+$0x20] =	vst v0  }
0x6d: {  	[tilespmem:s6+$0xFFFFFFF0] =	vst v0  }
0x6e: {  	s25 =	sadd.s32 $0x50, s24;
	[tilespmem:s2+$0x0] =	vst v2  }
0x6f: {  	[tilespmem:s25+$0x20] =	vst v0  }
0x70: {  	[tilespmem:s25+$0xFFFFFFF0] =	vst v0  }
0x71: {  	[tilespmem:s6+$0x0] =	vst v0  }
0x72: {  	[tilespmem:s2+$0x10] =	vst v1  }
0x73: {  	[tilespmem:s2+$0xFFFFFFE0] =	vst v4  }
0x74: {  	[tilespmem:s25+$0x0] =	vst v0  }
0x75: {  	[tilespmem:s6+$0x10] =	vst v0  }
0x76: {  	[tilespmem:s6+$0xFFFFFFE0] =	vst v0  }
0x77: {  	[tilespmem:s25+$0x10] =	vst v0  }
0x78: {  	s24 =	simm.s32 $0x0;
	[tilespmem:s25+$0xFFFFFFE0] =	vst v0  }
.LBB2_6:
0x79: {  	_ =	swait.ge [sflag:s26], $0xA00;
	s2 =	smov.u32 s24  }
0x7a: {  	s24 =	sadd.s32 $0x1, s24;
	[sflag:s26] =	ssyncset.done $0x0;
	p1 =	seq.s32 s2, $0x18  }
0x7b: {  	[sflag:s26] =	ssyncadd.s32 $0xFFFFF600;
	s6 =	sand.u32 @!p1 $0x1, s24  }
0x7c: {  	s21 =	smul.u32 @!p1 $0xA00, s24;
	s7 =	simm.s32 @!p1 $0x0;
	_ =	swait.ge [sflag:s26], $0xA00  }
0x7d: {  	p2 =	seq.s32 @!p1 s6, $0x1;
	s6 =	simm.s32 @!p1 $0xA00;
	[sflag:s26] =	ssyncset.done $0x0  }
0x7e: {  	p2 =	por !p2, p1;
	s21 =	sadd.s32 @!p1 s5, s21;
	[sflag:s26] =	ssyncadd.s32 $0xFFFFF600  }
0x7f: {  	s6 =	simm.s32 @p2 $0x0;
	s22 =	sshrl.u32 @!p1 s21, $0x3;
	s21 =	sadd.s32 @!p1 $0x4E200, s21  }
0x80: {  	s25 =	sor.u32 @!p1 $0x11580, s6;
	s22 =	sadd.s32 @!p1 s4, s22;
	s21 =	sshrl.u32 @!p1 s21, $0x3  }
0x81: {  	[tilespmem:s25], [sflag:$0x2] =	stream.linear.gather @!p1 [hbm4b:s22+s7], $0xA00, $0x38;
	[tilespmem:$0x14080] =	vst v63  }
0x82: {  	s2 =	sand.u32 $0x1, s2;
	s6 =	sadd.s32 @!p1 $0x12980, s6;
	s21 =	sadd.s32 @!p1 s4, s21  }
0x83: {  	[tilespmem:s6], [sflag:$0x2] =	stream.linear.gather @!p1 [hbm4b:s21+s7], $0xA00, $0x38;
	[tilespmem:$0x14080] =	vst v63  }
0x84: {  	p1 =	seq.s32 s2, $0x1;
	s2 =	simm.s32 $0xA00  }
0x85: {  	s2 =	simm.s32 @!p1 $0x0  }
0x86: {  	s21 =	simm.s32 $0xFFFFFFE0;
	s25 =	sadd.s32 $0x12A80, s2;
	s2 =	sadd.s32 $0x11680, s2  }
.LBB2_7:
0x87: {  	v1 =	vld [tilespmem:s2+$0xFFFFFF00]  }
0x88: {  	v2 =	vld [tilespmem:s25+$0xFFFFFF00]  }
0x89: {  	v3 =	vld [tilespmem:s2+$0xFFFFFF10]  }
0x8a: {  	v4 =	vld [tilespmem:s25+$0xFFFFFF10]  }
0x8b: {  	v5 =	vld [tilespmem:s2+$0xFFFFFF20]  }
0x8c: {  	v6 =	vld [tilespmem:s25+$0xFFFFFF20]  }
0x8d: {  	v8 =	vld [tilespmem:s2+$0xFFFFFF30]  }
0x8e: {  	v9 =	vld [tilespmem:s25+$0xFFFFFF30]  }
0x8f: {  	v10 =	vld [tilespmem:s2+$0xFFFFFF40]  }
0x90: {  	v13 =	vld [tilespmem:s25+$0xFFFFFF40]  }
0x91: {  	v16 =	vld [tilespmem:s2+$0xFFFFFF50]  }
0x92: {  	v28 =	vld [tilespmem:s25+$0xFFFFFF50]  }
0x93: {  	v18 =	vld [tilespmem:s2+$0xFFFFFF60]  }
0x94: {  	v29 =	vld [tilespmem:s25+$0xFFFFFF60]  }
0x95: {  	v52 =	vld [tilespmem:s25+$0xFFFFFF70]  }
0x96: {  	v53 =	vld [tilespmem:s2+$0xFFFFFF80]  }
0x97: {  	v55 =	vld [tilespmem:s2+$0xFFFFFF90]  }
0x98: {  	v56 =	vld [tilespmem:s2+$0xFFFFFFA0]  }
0x99: {  	v58 =	vld [tilespmem:s2+$0xFFFFFFB0]  }
0x9a: {  	v59 =	vld [tilespmem:s2+$0xFFFFFFC0]  }
0x9b: {  	v25 =	vld [tilespmem:s2+$0x0]  }
0x9c: {  	v1 =	vld.idx.msk [tilespmem:v1+s28+$0x0], $0xffff  }
0x9d: {  	v7 =	vld.idx.msk [tilespmem:v2+s29+$0x0], $0xffff  }
0x9e: {  	v3 =	vld.idx.msk [tilespmem:v3+s28+$0x0], $0xffff  }
0x9f: {  	v11 =	vld.idx.msk [tilespmem:v4+s29+$0x0], $0xffff  }
0xa0: {  	v5 =	vld.idx.msk [tilespmem:v5+s28+$0x0], $0xffff  }
0xa1: {  	v12 =	vld.idx.msk [tilespmem:v6+s29+$0x0], $0xffff  }
0xa2: {  	v8 =	vld.idx.msk [tilespmem:v8+s28+$0x0], $0xffff  }
0xa3: {  	v14 =	vld.idx.msk [tilespmem:v9+s29+$0x0], $0xffff  }
0xa4: {  	v10 =	vld.idx.msk [tilespmem:v10+s28+$0x0], $0xffff  }
0xa5: {  	v27 =	vld [tilespmem:s25+$0x0];
	v15 =	vand.u32 $0xFFFF0000, v1;
	v17 =	vand.u32 $0xFFFF0000, v3  }
0xa6: {  	v16 =	vld.idx.msk [tilespmem:v16+s28+$0x0], $0xffff;
	v7 =	vadd.f32 v15, v7;
	v11 =	vadd.f32 v17, v11  }
0xa7: {  	v21 =	vld.idx.msk [tilespmem:v13+s29+$0x0], $0xffff;
	v20 =	vand.u32 $0xFFFF0000, v5;
	v31 =	vand.u32 $0xFFFF0000, v8  }
0xa8: {  	v36 =	vld.idx.msk [tilespmem:v28+s29+$0x0], $0xffff;
	v12 =	vadd.f32 v20, v12;
	v19 =	vmul.f32 $2.000000030e-01, v7;
	v30 =	vmul.f32 $2.000000030e-01, v11  }
0xa9: {  	v38 =	vld.idx.msk [tilespmem:v18+s28+$0x0], $0xffff;
	v34 =	vand.u32 $0xFFFF0000, v10;
	v14 =	vadd.f32 v31, v14  }
0xaa: {  	v32 =	vmul.f32 $2.000000030e-01, v12;
	v7 =	vmax.f32 v7, v19;
	v11 =	vmax.f32 v11, v30;
	v30 =	vld [tilespmem:s2+$0xFFFFFFD0]  }
0xab: {  	v40 =	vld.idx.msk [tilespmem:v29+s29+$0x0], $0xffff;
	v42 =	vand.u32 $0xFFFF0000, v16;
	v35 =	vmul.f32 $2.000000030e-01, v14;
	v7 =	vmul.f32 $1.442695020e+00, v7  }
0xac: {  	v25 =	vld.idx.msk [tilespmem:v25+s28+$0x0], $0xffff;
	v12 =	vmax.f32 v12, v32;
	v33 =	vmul.f32 $1.442695020e+00, v11;
	v11 =	vadd.f32 v34, v21  }
0xad: {  	v44 =	vadd.f32 v42, v36;
	v37 =	vmul.f32 $1.442695020e+00, v12;
	v12 =	vld [tilespmem:s25+$0xFFFFFFB0];
	(erf) = vpow2.f32 v7  }
0xae: {  	v39 =	vmul.f32 $2.000000030e-01, v11;
	(erf) = vpow2.f32 v33;
	v33 =	vld [tilespmem:s2+$0xFFFFFFE0]  }
0xaf: {  	v46 =	vmul.f32 $2.000000030e-01, v44;
	v14 =	vmax.f32 v14, v35;
	v21 =	vld [tilespmem:s25+$0xFFFFFFD0]  }
0xb0: {  	v41 =	vmul.f32 $1.442695020e+00, v14;
	v34 =	vld [tilespmem:s2+$0xFFFFFFF0];
	v11 =	vmax.f32 v11, v39  }
0xb1: {  	v7 =	vmax.f32 v44, v46;
	(erf) = vpow2.f32 v37;
	v43 =	vmul.f32 $1.442695020e+00, v11;
	v11 =	vld.idx.msk [tilespmem:v58+s28+$0x0], $0xffff  }
0xb2: {  	v7 =	vmul.f32 $1.442695020e+00, v7;
	(erf) = vpow2.f32 v41;
	v17 =	vld.idx.msk [tilespmem:v30+s28+$0x0], $0xffff  }
0xb3: {  	(erf) = vpow2.f32 v43;
	v30 =	vld [tilespmem:s2+$0x10]  }
0xb4: {  	(erf) = vpow2.f32 v7;
	v7 =	vld [tilespmem:s25+$0xFFFFFF90]  }
0xb5: {  	v45 =	vand.u32 $0xFFFF0000, v38;
	v63 =	vld.idx.msk [tilespmem:v12+s29+$0x0], $0xffff  }
0xb6: {  	v14 =	vadd.f32 v45, v40;
	v15 =	vld.idx.msk [tilespmem:v33+s28+$0x0], $0xffff  }
0xb7: {  	v1 =	vshll.u32 v1, $0x10;
	v47 =	vpop (erf);
	v33 =	vld.idx.msk [tilespmem:v27+s29+$0x0], $0xffff  }
0xb8: {  	v48 =	vmul.f32 $2.000000030e-01, v14;
	v1 =	vmul.f32 v1, v47;
	[tilespmem:v2+s30+$0x0] =	vst.idx.add.f32.msk $0xffff, v47  }
0xb9: {  	v47 =	vld [tilespmem:s25+$0x20]  }
0xba: {  	v3 =	vshll.u32 v3, $0x10;
	v49 =	vpop (erf);
	[tilespmem:v2+s31+$0x0] =	vst.idx.add.f32.msk $0xffff, v1;
	v2 =	vmax.f32 v14, v48  }
0xbb: {  	[tilespmem:v4+s30+$0x0] =	vst.idx.add.f32.msk $0xffff, v49;
	v50 =	vpop (erf);
	v1 =	vmul.f32 v3, v49;
	v2 =	vmul.f32 $1.442695020e+00, v2  }
0xbc: {  	v3 =	vshll.u32 v5, $0x10;
	[tilespmem:v6+s30+$0x0] =	vst.idx.add.f32.msk $0xffff, v50  }
0xbd: {  	[tilespmem:v4+s31+$0x0] =	vst.idx.add.f32.msk $0xffff, v1;
	v1 =	vmul.f32 v3, v50;
	(erf) = vpow2.f32 v2  }
0xbe: {  	v51 =	vpop (erf);
	v5 =	vld.idx.msk [tilespmem:v53+s28+$0x0], $0xffff;
	v3 =	vshll.u32 v8, $0x10  }
0xbf: {  	[tilespmem:v6+s31+$0x0] =	vst.idx.add.f32.msk $0xffff, v1;
	v1 =	vmul.f32 v3, v51  }
0xc0: {  	[tilespmem:v9+s30+$0x0] =	vst.idx.add.f32.msk $0xffff, v51  }
0xc1: {  	v2 =	vshll.u32 v10, $0x10;
	v3 =	vpop (erf);
	[tilespmem:v9+s31+$0x0] =	vst.idx.add.f32.msk $0xffff, v1  }
0xc2: {  	v1 =	vmul.f32 v2, v3;
	[tilespmem:v13+s30+$0x0] =	vst.idx.add.f32.msk $0xffff, v3  }
0xc3: {  	v2 =	vshll.u32 v16, $0x10;
	v16 =	vld [tilespmem:s25+$0xFFFFFFC0]  }
0xc4: {  	v3 =	vpop (erf);
	[tilespmem:v13+s31+$0x0] =	vst.idx.add.f32.msk $0xffff, v1  }
0xc5: {  	v2 =	vmul.f32 v2, v3;
	v1 =	vld [tilespmem:s2+$0xFFFFFF70]  }
0xc6: {  	[tilespmem:v28+s30+$0x0] =	vst.idx.add.f32.msk $0xffff, v3;
	v3 =	vshll.u32 v38, $0x10;
	v54 =	vpop (erf)  }
0xc7: {  	[tilespmem:v28+s31+$0x0] =	vst.idx.add.f32.msk $0xffff, v2;
	v2 =	vmul.f32 v3, v54  }
0xc8: {  	[tilespmem:v29+s30+$0x0] =	vst.idx.add.f32.msk $0xffff, v54  }
0xc9: {  	[tilespmem:v29+s31+$0x0] =	vst.idx.add.f32.msk $0xffff, v2  }
0xca: {  	v2 =	vld [tilespmem:s25+$0xFFFFFF80]  }
0xcb: {  	v60 =	vld.idx.msk [tilespmem:v7+s29+$0x0], $0xffff  }
0xcc: {  	v8 =	vld.idx.msk [tilespmem:v56+s28+$0x0], $0xffff  }
0xcd: {  	v3 =	vld.idx.msk [tilespmem:v1+s28+$0x0], $0xffff  }
0xce: {  	v1 =	vld.idx.msk [tilespmem:v52+s29+$0x0], $0xffff  }
0xcf: {  	v9 =	vld [tilespmem:s25+$0xFFFFFFA0]  }
0xd0: {  	v13 =	vld.idx.msk [tilespmem:v59+s28+$0x0], $0xffff  }
0xd1: {  	v24 =	vld.idx.msk [tilespmem:v16+s29+$0x0], $0xffff  }
0xd2: {  	v62 =	vand.u32 $0xFFFF0000, v3;
	v57 =	vld.idx.msk [tilespmem:v2+s29+$0x0], $0xffff  }
0xd3: {  	v56 =	vld.idx.msk [tilespmem:v30+s28+$0x0], $0xffff;
	v1 =	vadd.f32 v62, v1  }
0xd4: {  	v6 =	vld.idx.msk [tilespmem:v55+s28+$0x0], $0xffff  }
0xd5: {  	v38 =	vld.idx.msk [tilespmem:v21+s29+$0x0], $0xffff;
	v29 =	vand.u32 $0xFFFF0000, v13;
	v31 =	vmul.f32 $2.000000030e-01, v1  }
0xd6: {  	v26 =	vand.u32 $0xFFFF0000, v11;
	v32 =	vand.u32 $0xFFFF0000, v5;
	v44 =	vadd.f32 v29, v24;
	v24 =	vld [tilespmem:s25+$0x10]  }
0xd7: {  	v18 =	vadd.f32 v26, v63;
	v19 =	vmax.f32 v1, v31;
	v1 =	vld [tilespmem:s25+$0xFFFFFFE0];
	v10 =	vadd.f32 v32, v57  }
0xd8: {  	v31 =	vld [tilespmem:s2+$0x20];
	v19 =	vmul.f32 $1.442695020e+00, v19  }
0xd9: {  	v23 =	vand.u32 $0xFFFF0000, v6;
	v28 =	vmul.f32 $2.000000030e-01, v18;
	v61 =	vld.idx.msk [tilespmem:v9+s29+$0x0], $0xffff;
	v22 =	vmul.f32 $2.000000030e-01, v10  }
0xda: {  	v14 =	vadd.f32 v23, v60;
	v32 =	vmul.f32 $2.000000030e-01, v44;
	(erf) = vpow2.f32 v19;
	v19 =	vld [tilespmem:s25+$0xFFFFFFF0]  }
0xdb: {  	v46 =	vand.u32 $0xFFFF0000, v17;
	v63 =	vld.idx.msk [tilespmem:v47+s29+$0x0], $0xffff;
	v43 =	vmax.f32 v18, v28;
	v10 =	vmax.f32 v10, v22  }
0xdc: {  	v35 =	vmul.f32 $2.000000030e-01, v14;
	v18 =	vmax.f32 v44, v32;
	v44 =	vld [tilespmem:s2+$0x40];
	v10 =	vmul.f32 $1.442695020e+00, v10  }
0xdd: {  	v23 =	vld.idx.msk [tilespmem:v34+s28+$0x0], $0xffff;
	v22 =	vadd.f32 v46, v38  }
0xde: {  	v37 =	vand.u32 $0xFFFF0000, v8;
	v36 =	vmax.f32 v14, v35;
	v58 =	vld.idx.msk [tilespmem:v24+s29+$0x0], $0xffff;
	(erf) = vpow2.f32 v10  }
0xdf: {  	v14 =	vadd.f32 v37, v61;
	v39 =	vld.idx.msk [tilespmem:v1+s29+$0x0], $0xffff;
	v50 =	vmul.f32 $2.000000030e-01, v22;
	v10 =	vmul.f32 $1.442695020e+00, v36  }
0xe0: {  	v61 =	vld.idx.msk [tilespmem:v31+s28+$0x0], $0xffff  }
0xe1: {  	v40 =	vmul.f32 $2.000000030e-01, v14;
	v53 =	vmax.f32 v22, v50;
	v22 =	vld [tilespmem:s25+$0xD0];
	(erf) = vpow2.f32 v10  }
0xe2: {  	v55 =	vand.u32 $0xFFFF0000, v25;
	v3 =	vshll.u32 v3, $0x10;
	v41 =	vld.idx.msk [tilespmem:v19+s29+$0x0], $0xffff  }
0xe3: {  	v31 =	vshll.u32 v11, $0x10;
	v10 =	vmax.f32 v14, v40;
	v54 =	vmul.f32 $1.442695020e+00, v53;
	v53 =	vld [tilespmem:s2+$0xA0]  }
0xe4: {  	v14 =	vadd.f32 v55, v33;
	v33 =	vand.u32 $0xFFFF0000, v56;
	v42 =	vpop (erf);
	v10 =	vmul.f32 $1.442695020e+00, v10;
	v11 =	vld.idx.msk [tilespmem:v44+s28+$0x0], $0xffff  }
0xe5: {  	v34 =	vadd.f32 v33, v58;
	v33 =	vld [tilespmem:s25+$0xE0];
	v3 =	vmul.f32 v3, v42  }
0xe6: {  	[tilespmem:v52+s30+$0x0] =	vst.idx.add.f32.msk $0xffff, v42;
	(erf) = vpow2.f32 v10;
	v10 =	vmul.f32 $1.442695020e+00, v43  }
0xe7: {  	v48 =	vand.u32 $0xFFFF0000, v15;
	v5 =	vshll.u32 v5, $0x10;
	[tilespmem:v52+s31+$0x0] =	vst.idx.add.f32.msk $0xffff, v3;
	v45 =	vpop (erf)  }
0xe8: {  	(erf) = vpow2.f32 v10;
	v10 =	vadd.f32 v48, v39;
	v48 =	vld [tilespmem:s2+$0x80];
	v5 =	vmul.f32 v5, v45  }
0xe9: {  	[tilespmem:v2+s30+$0x0] =	vst.idx.add.f32.msk $0xffff, v45  }
0xea: {  	v49 =	vpop (erf);
	[tilespmem:v2+s31+$0x0] =	vst.idx.add.f32.msk $0xffff, v5  }
0xeb: {  	v6 =	vshll.u32 v6, $0x10;
	v51 =	vmul.f32 $1.442695020e+00, v18;
	[tilespmem:v7+s30+$0x0] =	vst.idx.add.f32.msk $0xffff, v49  }
0xec: {  	v52 =	vand.u32 $0xFFFF0000, v23;
	v3 =	vmul.f32 v6, v49;
	v5 =	vld [tilespmem:s25+$0x70]  }
0xed: {  	(erf) = vpow2.f32 v51;
	v6 =	vadd.f32 v52, v41;
	v52 =	vld [tilespmem:s2+$0x90]  }
0xee: {  	[tilespmem:v7+s31+$0x0] =	vst.idx.add.f32.msk $0xffff, v3  }
0xef: {  	v62 =	vmul.f32 $2.000000030e-01, v14;
	(erf) = vpow2.f32 v54;
	v59 =	vpop (erf);
	v7 =	vld [tilespmem:s25+$0x60]  }
0xf0: {  	v8 =	vshll.u32 v8, $0x10;
	v57 =	vmul.f32 $2.000000030e-01, v6;
	[tilespmem:v9+s30+$0x0] =	vst.idx.add.f32.msk $0xffff, v59  }
0xf1: {  	v32 =	vmax.f32 v14, v62;
	v8 =	vmul.f32 v8, v59;
	v14 =	vld.idx.msk [tilespmem:v48+s28+$0x0], $0xffff  }
0xf2: {  	v20 =	vmul.f32 $2.000000030e-01, v10;
	v6 =	vmax.f32 v6, v57;
	v57 =	vld [tilespmem:s2+$0xC0]  }
0xf3: {  	v3 =	vpop (erf);
	[tilespmem:v9+s31+$0x0] =	vst.idx.add.f32.msk $0xffff, v8  }
0xf4: {  	v10 =	vmax.f32 v10, v20;
	[tilespmem:v12+s30+$0x0] =	vst.idx.add.f32.msk $0xffff, v3  }
0xf5: {  	v60 =	vmul.f32 $1.442695020e+00, v10;
	v8 =	vld [tilespmem:s25+$0x30]  }
0xf6: {  	v4 =	vmul.f32 v31, v3;
	v36 =	vpop (erf);
	v9 =	vld [tilespmem:s25+$0x40]  }
0xf7: {  	(erf) = vpow2.f32 v60;
	[tilespmem:v16+s30+$0x0] =	vst.idx.add.f32.msk $0xffff, v36  }
0xf8: {  	v2 =	vmul.f32 $1.442695020e+00, v6;
	v3 =	vshll.u32 v13, $0x10;
	v39 =	vpop (erf);
	[tilespmem:v12+s31+$0x0] =	vst.idx.add.f32.msk $0xffff, v4  }
0xf9: {  	v35 =	vand.u32 $0xFFFF0000, v61;
	v3 =	vmul.f32 v3, v36;
	[tilespmem:v21+s30+$0x0] =	vst.idx.add.f32.msk $0xffff, v39  }
0xfa: {  	v6 =	vadd.f32 v35, v63;
	(erf) = vpow2.f32 v2;
	v2 =	vmul.f32 $1.442695020e+00, v32;
	v12 =	vld [tilespmem:s25+$0x50]  }
0xfb: {  	[tilespmem:v16+s31+$0x0] =	vst.idx.add.f32.msk $0xffff, v3  }
0xfc: {  	v38 =	vshll.u32 v17, $0x10;
	v37 =	vmul.f32 $2.000000030e-01, v6;
	v51 =	vld.idx.msk [tilespmem:v5+s29+$0x0], $0xffff;
	(erf) = vpow2.f32 v2  }
0xfd: {  	v3 =	vmul.f32 v38, v39;
	v20 =	vld.idx.msk [tilespmem:v52+s28+$0x0], $0xffff  }
0xfe: {  	v2 =	vmul.f32 $2.000000030e-01, v34;
	v4 =	vmax.f32 v6, v37;
	v6 =	vld [tilespmem:s25+$0xC0]  }
0xff: {  	[tilespmem:v21+s31+$0x0] =	vst.idx.add.f32.msk $0xffff, v3  }
0x100: {  	v40 =	vshll.u32 v15, $0x10;
	v50 =	vld.idx.msk [tilespmem:v7+s29+$0x0], $0xffff;
	v2 =	vmax.f32 v34, v2;
	v41 =	vpop (erf)  }
0x101: {  	v21 =	vld.idx.msk [tilespmem:v53+s28+$0x0], $0xffff;
	v2 =	vmul.f32 $1.442695020e+00, v2;
	v3 =	vmul.f32 v40, v41  }
0x102: {  	[tilespmem:v1+s30+$0x0] =	vst.idx.add.f32.msk $0xffff, v41  }
0x103: {  	v42 =	vshll.u32 v23, $0x10;
	v46 =	vld.idx.msk [tilespmem:v9+s29+$0x0], $0xffff;
	(erf) = vpow2.f32 v2;
	v2 =	vmul.f32 $1.442695020e+00, v4;
	v43 =	vpop (erf)  }
0x104: {  	[tilespmem:v1+s31+$0x0] =	vst.idx.add.f32.msk $0xffff, v3;
	v1 =	vmul.f32 v42, v43  }
0x105: {  	(erf) = vpow2.f32 v2;
	v2 =	vshll.u32 v25, $0x10;
	[tilespmem:v19+s30+$0x0] =	vst.idx.add.f32.msk $0xffff, v43;
	v3 =	vpop (erf)  }
0x106: {  	[tilespmem:v19+s31+$0x0] =	vst.idx.add.f32.msk $0xffff, v1;
	v1 =	vmul.f32 v2, v3  }
0x107: {  	[tilespmem:v27+s30+$0x0] =	vst.idx.add.f32.msk $0xffff, v3  }
0x108: {  	[tilespmem:v27+s31+$0x0] =	vst.idx.add.f32.msk $0xffff, v1  }
0x109: {  	v1 =	vld [tilespmem:s2+$0x30]  }
0x10a: {  	v4 =	vld [tilespmem:s25+$0x80]  }
0x10b: {  	v49 =	vld.idx.msk [tilespmem:v12+s29+$0x0], $0xffff  }
0x10c: {  	v25 =	vld.idx.msk [tilespmem:v57+s28+$0x0], $0xffff;
	v2 =	vshll.u32 v56, $0x10;
	v3 =	vpop (erf)  }
0x10d: {  	v56 =	vld [tilespmem:s2+$0xB0];
	v2 =	vmul.f32 v2, v3  }
0x10e: {  	[tilespmem:v24+s30+$0x0] =	vst.idx.add.f32.msk $0xffff, v3  }
0x10f: {  	v3 =	vshll.u32 v61, $0x10;
	v45 =	vpop (erf);
	[tilespmem:v24+s31+$0x0] =	vst.idx.add.f32.msk $0xffff, v2  }
0x110: {  	v2 =	vmul.f32 v3, v45;
	v3 =	vld [tilespmem:s2+$0x60]  }
0x111: {  	v10 =	vld.idx.msk [tilespmem:v1+s28+$0x0], $0xffff  }
0x112: {  	v1 =	vld [tilespmem:s2+$0x50]  }
0x113: {  	[tilespmem:v47+s30+$0x0] =	vst.idx.add.f32.msk $0xffff, v45  }
0x114: {  	[tilespmem:v47+s31+$0x0] =	vst.idx.add.f32.msk $0xffff, v2  }
0x115: {  	v2 =	vld.idx.msk [tilespmem:v8+s29+$0x0], $0xffff  }
0x116: {  	v47 =	vld [tilespmem:s2+$0x70]  }
0x117: {  	v54 =	vld.idx.msk [tilespmem:v4+s29+$0x0], $0xffff  }
0x118: {  	v17 =	vld.idx.msk [tilespmem:v3+s28+$0x0], $0xffff  }
0x119: {  	v3 =	vld [tilespmem:s25+$0x90];
	v55 =	vand.u32 $0xFFFF0000, v10  }
0x11a: {  	v23 =	vadd.f32 v55, v2;
	v15 =	vld.idx.msk [tilespmem:v1+s28+$0x0], $0xffff  }
0x11b: {  	v59 =	vand.u32 $0xFFFF0000, v11;
	v24 =	vld.idx.msk [tilespmem:v56+s28+$0x0], $0xffff  }
0x11c: {  	v27 =	vadd.f32 v59, v46;
	v1 =	vld [tilespmem:s25+$0xA0];
	v58 =	vmul.f32 $2.000000030e-01, v23  }
0x11d: {  	v11 =	vshll.u32 v11, $0x10;
	v41 =	vand.u32 $0xFFFF0000, v14;
	v2 =	vld [tilespmem:s25+$0xB0]  }
0x11e: {  	v46 =	vand.u32 $0xFFFF0000, v20;
	v62 =	vmul.f32 $2.000000030e-01, v27;
	v13 =	vld.idx.msk [tilespmem:v47+s28+$0x0], $0xffff;
	v23 =	vmax.f32 v23, v58  }
0x11f: {  	v42 =	vld [tilespmem:s2+$0xD0];
	v44 =	vadd.f32 v41, v54;
	v23 =	vmul.f32 $1.442695020e+00, v23;
	v60 =	vand.u32 $0xFFFF0000, v15  }
0x120: {  	v59 =	vand.u32 $0xFFFF0000, v25;
	v37 =	vmax.f32 v27, v62;
	v54 =	vld [tilespmem:s2+$0xF0];
	v16 =	vadd.f32 v60, v49  }
0x121: {  	v52 =	vld.idx.msk [tilespmem:v6+s29+$0x0], $0xffff;
	v48 =	vmul.f32 $2.000000030e-01, v44;
	v36 =	vand.u32 $0xFFFF0000, v17;
	(erf) = vpow2.f32 v23  }
0x122: {  	v10 =	vshll.u32 v10, $0x10;
	v18 =	vadd.f32 v36, v50;
	v61 =	vld.idx.msk [tilespmem:v3+s29+$0x0], $0xffff;
	v35 =	vmul.f32 $2.000000030e-01, v16  }
0x123: {  	v47 =	vld [tilespmem:s2+$0xE0];
	v58 =	vand.u32 $0xFFFF0000, v24;
	v40 =	vand.u32 $0xFFFF0000, v13;
	v23 =	vmul.f32 $1.442695020e+00, v37  }
0x124: {  	v39 =	vmul.f32 $2.000000030e-01, v18;
	v19 =	vadd.f32 v40, v51;
	v63 =	vld.idx.msk [tilespmem:v1+s29+$0x0], $0xffff;
	v16 =	vmax.f32 v16, v35  }
0x125: {  	v38 =	vld.idx.msk [tilespmem:v2+s29+$0x0], $0xffff;
	v49 =	vand.u32 $0xFFFF0000, v21;
	(erf) = vpow2.f32 v23;
	v16 =	vmul.f32 $1.442695020e+00, v16  }
0x126: {  	v43 =	vmax.f32 v18, v39;
	v45 =	vmul.f32 $2.000000030e-01, v19;
	v18 =	vmax.f32 v44, v48  }
0x127: {  	v27 =	vadd.f32 v46, v61;
	v35 =	vld [tilespmem:s25+$0xF0];
	(erf) = vpow2.f32 v16;
	v16 =	vmul.f32 $1.442695020e+00, v43  }
0x128: {  	v29 =	vld.idx.msk [tilespmem:v54+s28+$0x0], $0xffff;
	v23 =	vadd.f32 v59, v52;
	v18 =	vmul.f32 $1.442695020e+00, v18;
	v50 =	vmax.f32 v19, v45  }
0x129: {  	v19 =	vld.idx.msk [tilespmem:v42+s28+$0x0], $0xffff;
	v53 =	vmul.f32 $2.000000030e-01, v27;
	v51 =	vadd.f32 v49, v63;
	(erf) = vpow2.f32 v16  }
0x12a: {  	v60 =	vld.idx.msk [tilespmem:v22+s29+$0x0], $0xffff;
	v28 =	vmul.f32 $2.000000030e-01, v23;
	v61 =	vadd.f32 v58, v38;
	v55 =	vpop (erf);
	v16 =	vmul.f32 $1.442695020e+00, v50  }
0x12b: {  	v26 =	vld.idx.msk [tilespmem:v47+s28+$0x0], $0xffff;
	v56 =	vmax.f32 v27, v53;
	v34 =	vmul.f32 $2.000000030e-01, v51;
	v10 =	vmul.f32 v10, v55  }
0x12c: {  	v38 =	vmax.f32 v23, v28;
	v63 =	vld.idx.msk [tilespmem:v33+s29+$0x0], $0xffff;
	(erf) = vpow2.f32 v16;
	v16 =	vmul.f32 $1.442695020e+00, v56  }
0x12d: {  	v37 =	vmul.f32 $2.000000030e-01, v61;
	[tilespmem:v8+s30+$0x0] =	vst.idx.add.f32.msk $0xffff, v55;
	v57 =	vmax.f32 v51, v34;
	(erf) = vpow2.f32 v18  }
0x12e: {  	v39 =	vand.u32 $0xFFFF0000, v19;
	v62 =	vpop (erf);
	[tilespmem:v8+s31+$0x0] =	vst.idx.add.f32.msk $0xffff, v10;
	v18 =	vmul.f32 $1.442695020e+00, v57;
	(erf) = vpow2.f32 v16  }
0x12f: {  	v34 =	vshll.u32 v15, $0x10;
	v11 =	vmul.f32 v11, v62;
	v15 =	vmax.f32 v61, v37;
	v40 =	vld.idx.msk [tilespmem:v35+s29+$0x0], $0xffff  }
0x130: {  	v23 =	vadd.f32 v39, v60;
	[tilespmem:v9+s30+$0x0] =	vst.idx.add.f32.msk $0xffff, v62;
	v15 =	vmul.f32 $1.442695020e+00, v15;
	(erf) = vpow2.f32 v18;
	v36 =	vpop (erf)  }
0x131: {  	v17 =	vshll.u32 v17, $0x10;
	v42 =	vand.u32 $0xFFFF0000, v26;
	[tilespmem:v9+s31+$0x0] =	vst.idx.add.f32.msk $0xffff, v11;
	v8 =	vmul.f32 v34, v36  }
0x132: {  	v45 =	vmul.f32 $2.000000030e-01, v23;
	v43 =	vadd.f32 v42, v63;
	(erf) = vpow2.f32 v15;
	[tilespmem:v12+s30+$0x0] =	vst.idx.add.f32.msk $0xffff, v36;
	v41 =	vpop (erf)  }
0x133: {  	v47 =	vand.u32 $0xFFFF0000, v29;
	v16 =	vmul.f32 $1.442695020e+00, v38;
	v44 =	vmul.f32 v17, v41;
	[tilespmem:v12+s31+$0x0] =	vst.idx.add.f32.msk $0xffff, v8  }
0x134: {  	v10 =	vmax.f32 v23, v45;
	v46 =	vmul.f32 $2.000000030e-01, v43;
	[tilespmem:v7+s30+$0x0] =	vst.idx.add.f32.msk $0xffff, v41;
	v12 =	vadd.f32 v47, v40  }
0x135: {  	v13 =	vshll.u32 v13, $0x10;
	v10 =	vmul.f32 $1.442695020e+00, v10;
	(erf) = vpow2.f32 v16;
	v48 =	vpop (erf);
	[tilespmem:v7+s31+$0x0] =	vst.idx.add.f32.msk $0xffff, v44  }
0x136: {  	v8 =	vmax.f32 v43, v46;
	v49 =	vmul.f32 v13, v48;
	[tilespmem:v5+s30+$0x0] =	vst.idx.add.f32.msk $0xffff, v48;
	v51 =	vpop (erf);
	v52 =	vmul.f32 $2.000000030e-01, v12  }
0x137: {  	v56 =	vshll.u32 v20, $0x10;
	v8 =	vmul.f32 $1.442695020e+00, v8;
	(erf) = vpow2.f32 v10;
	[tilespmem:v4+s30+$0x0] =	vst.idx.add.f32.msk $0xffff, v51;
	v54 =	vpop (erf)  }
0x138: {  	[tilespmem:v5+s31+$0x0] =	vst.idx.add.f32.msk $0xffff, v49;
	v55 =	vmax.f32 v12, v52;
	v57 =	vmul.f32 v56, v54  }
0x139: {  	v59 =	vshll.u32 v21, $0x10;
	(erf) = vpow2.f32 v8;
	[tilespmem:v3+s30+$0x0] =	vst.idx.add.f32.msk $0xffff, v54;
	v60 =	vpop (erf);
	v58 =	vmul.f32 $1.442695020e+00, v55  }
0x13a: {  	[tilespmem:v3+s31+$0x0] =	vst.idx.add.f32.msk $0xffff, v57;
	v3 =	vmul.f32 v59, v60  }
0x13b: {  	v62 =	vshll.u32 v24, $0x10;
	v61 =	vpop (erf);
	[tilespmem:v1+s30+$0x0] =	vst.idx.add.f32.msk $0xffff, v60;
	(erf) = vpow2.f32 v58  }
0x13c: {  	[tilespmem:v1+s31+$0x0] =	vst.idx.add.f32.msk $0xffff, v3;
	v1 =	vmul.f32 v62, v61  }
0x13d: {  	v50 =	vshll.u32 v14, $0x10;
	[tilespmem:v2+s30+$0x0] =	vst.idx.add.f32.msk $0xffff, v61  }
0x13e: {  	v63 =	vshll.u32 v25, $0x10;
	v53 =	vmul.f32 v50, v51;
	v3 =	vpop (erf);
	[tilespmem:v2+s31+$0x0] =	vst.idx.add.f32.msk $0xffff, v1  }
0x13f: {  	v1 =	vmul.f32 v63, v3;
	[tilespmem:v6+s30+$0x0] =	vst.idx.add.f32.msk $0xffff, v3;
	v3 =	vshll.u32 v19, $0x10  }
0x140: {  	[tilespmem:v4+s31+$0x0] =	vst.idx.add.f32.msk $0xffff, v53;
	v2 =	vpop (erf)  }
0x141: {  	s21 =	sadd.s32 $0x20, s21;
	[tilespmem:v6+s31+$0x0] =	vst.idx.add.f32.msk $0xffff, v1;
	v1 =	vmul.f32 v3, v2  }
0x142: {  	p1 =	slt.u32 s21, $0x80;
	[tilespmem:v22+s30+$0x0] =	vst.idx.add.f32.msk $0xffff, v2;
	v2 =	vshll.u32 v26, $0x10;
	v3 =	vpop (erf)  }
.Ltmp3:
0x143: {  	[tilespmem:v22+s31+$0x0] =	vst.idx.add.f32.msk $0xffff, v1;
	v1 =	vmul.f32 v2, v3;
	(pc) =	sbr.rel @p1 .LBB2_7-.Ltmp3, $4  }
0x144: {  	[tilespmem:v33+s30+$0x0] =	vst.idx.add.f32.msk $0xffff, v3;
	v2 =	vshll.u32 v29, $0x10;
	v3 =	vpop (erf)  }
0x145: {  	[tilespmem:v33+s31+$0x0] =	vst.idx.add.f32.msk $0xffff, v1;
	v1 =	vmul.f32 v2, v3  }
0x146: {  	[tilespmem:v35+s30+$0x0] =	vst.idx.add.f32.msk $0xffff, v3  }
0x147: {  	s2 =	sadd.s32 $0x200, s2;
	s25 =	sadd.s32 $0x200, s25;
	[tilespmem:v35+s31+$0x0] =	vst.idx.add.f32.msk $0xffff, v1  }
0x148: {  	p1 =	seq.s32 s24, $0x19  }
.Ltmp4:
0x149: {  	_ = 	snop;
	(pc) =	sbr.rel @!p1 .LBB2_6-.Ltmp4, $1  }
0x14a: {  	_ =	sdelay $0x3  }
0x14b: {  	[hbm4b:s10+s17] =	stream.strided.scatter [tilespmem:s31], [sflag:$0x3], $0x2800, s1, s17, $0x38;
	[tilespmem:$0x14080] =	vst v63  }
0x14c: {  	_ =	swait.ge [sflag:s20], $0x2800  }
0x14d: {  	[sflag:s20] =	ssyncset.done $0x0  }
0x14e: {  	[sflag:s20] =	ssyncadd.s32 $0xFFFFD800  }
0x14f: {  	[hbm4b:s11+s17] =	stream.strided.scatter [tilespmem:s30], [sflag:$0x3], $0x2800, s1, s17, $0x38;
	[tilespmem:$0x14080] =	vst v63  }
0x150: {  	_ =	swait.ge [sflag:s20], $0x2800  }
0x151: {  	s22 =	smov.u32 s8;
	[sflag:s20] =	ssyncset.done $0x0  }
0x152: {  	s7 =	simm.s32 $0x13D80;
	s8 =	simm.s32 $0x13F00;
	[sflag:s20] =	ssyncadd.s32 $0xFFFFD800  }
.LBB2_10:
0x153: {  	[tilespmem:s19], [sflag:$0x3] =	stream.strided.gather [hbm4b:s12+s17], $0x2780, s18, s17, $0x38;
	[tilespmem:$0x14080] =	vst v63  }
0x154: {  	_ =	swait.ge [sflag:s20], $0x2780  }
0x155: {  	[sflag:s20] =	ssyncset.done $0x0  }
0x156: {  	[sflag:s20] =	ssyncadd.s32 $0xFFFFD880  }
0x157: {  	[tilespmem:s7], [sflag:$0x3] =	stream.linear.gather [hbm4b:s13+s3], $0x140, $0x38;
	[tilespmem:$0x14080] =	vst v63  }
0x158: {  	_ =	swait.ge [sflag:s20], $0x140  }
0x159: {  	[sflag:s20] =	ssyncset.done $0x0  }
0x15a: {  	s2 =	simm.s32 $0x13DA0;
	[sflag:s20] =	ssyncadd.s32 $0xFFFFFEC0  }
0x15b: {  	v1 =	vld [tilespmem:s2+$0x10];
	_ =	sdelay $0x1  }
0x15c: {  	v3 =	vld [tilespmem:s2+$0xFFFFFFE0]  }
0x15d: {  	v4 =	vld [tilespmem:s2+$0xFFFFFFF0]  }
0x15e: {  	s25 =	simm.s32 $0x13DE0;
	v5 =	vld [tilespmem:s2+$0x0]  }
0x15f: {  	v8 =	vld [tilespmem:s25+$0x10]  }
0x160: {  	v2 =	vld [tilespmem:s25+$0xFFFFFFF0]  }
0x161: {  	v7 =	vld [tilespmem:s25+$0xFFFFFFE0]  }
0x162: {  	v9 =	vld.idx.msk [tilespmem:v1+s19+$0x0], $0xffff  }
0x163: {  	v1 =	vld [tilespmem:s25+$0x0]  }
0x164: {  	v6 =	vld.idx.msk [tilespmem:v3+s19+$0x0], $0xffff  }
0x165: {  	v3 =	vld.idx.msk [tilespmem:v4+s19+$0x0], $0xffff  }
0x166: {  	s2 =	simm.s32 $0x13F20;
	v4 =	vld.idx.msk [tilespmem:v5+s19+$0x0], $0xffff  }
0x167: {  	s6 =	simm.s32 $0x4;
	s21 =	simm.s32 $0x13E20;
	v5 =	vld.idx.msk [tilespmem:v8+s19+$0x0], $0xffff;
	[tilespmem:s2+$0x10] =	vst v9  }
.LBB2_11:
0x168: {  	v8 =	vld [tilespmem:s21+$0x10];
	s6 =	sadd.s32 $0x4, s6  }
0x169: {  	v9 =	vld [tilespmem:s21+$0xFFFFFFF0];
	p1 =	slt.u32 s6, $0x10;
	[tilespmem:s2+$0xFFFFFFE0] =	vst v6  }
0x16a: {  	v10 =	vld [tilespmem:s21+$0x0];
	[tilespmem:s2+$0xFFFFFFF0] =	vst v3  }
0x16b: {  	v11 =	vld [tilespmem:s21+$0xFFFFFFE0];
	[tilespmem:s2+$0x0] =	vst v4  }
.Ltmp5:
0x16c: {  	s2 =	sadd.s32 $0x40, s2;
	v6 =	vld.idx.msk [tilespmem:v7+s19+$0x0], $0xffff;
	(pc) =	sbr.rel @p1 .LBB2_11-.Ltmp5, $4  }
0x16d: {  	v3 =	vld.idx.msk [tilespmem:v2+s19+$0x0], $0xffff;
	[tilespmem:s2+$0x10] =	vst v5  }
0x16e: {  	v4 =	vld.idx.msk [tilespmem:v1+s19+$0x0], $0xffff;
	v2 =	vmov v9  }
0x16f: {  	v1 =	vmov v10  }
0x170: {  	s21 =	sadd.s32 $0x40, s21;
	v5 =	vld.idx.msk [tilespmem:v8+s19+$0x0], $0xffff;
	v7 =	vmov v11  }
0x171: {  	_ =	sdelay $0x3  }
0x172: {  	v7 =	vld.idx.msk [tilespmem:v7+s19+$0x0], $0xffff  }
0x173: {  	[tilespmem:s2+$0xFFFFFFE0] =	vst v6;
	v2 =	vld.idx.msk [tilespmem:v2+s19+$0x0], $0xffff  }
0x174: {  	v1 =	vld.idx.msk [tilespmem:v1+s19+$0x0], $0xffff;
	[tilespmem:s2+$0xFFFFFFF0] =	vst v3  }
0x175: {  	s25 =	sadd.s32 $0x40, s2;
	[tilespmem:s2+$0x0] =	vst v4  }
0x176: {  	[tilespmem:s25+$0x10] =	vst v5  }
0x177: {  	s0 =	sadd.s32 $0x1, s0;
	[tilespmem:s25+$0xFFFFFFE0] =	vst v7  }
0x178: {  	p1 =	sne.s32 s0, s15;
	[tilespmem:s25+$0xFFFFFFF0] =	vst v2  }
.Ltmp6:
0x179: {  	[tilespmem:s25+$0x0] =	vst v1;
	(pc) =	sbr.rel @p1 .LBB2_1-.Ltmp6, $4  }
0x17a: {  	[hbm4b:s14+s3] =	stream.linear.scatter [tilespmem:s8], [sflag:$0x3], $0x140, $0x38;
	[tilespmem:$0x14080] =	vst v63  }
0x17b: {  	_ =	swait.ge [sflag:s20], $0x140  }
0x17c: {  	[sflag:s20] =	ssyncset.done $0x0  }
0x17d: {  	[sflag:s20] =	ssyncadd.s32 $0xFFFFFEC0  }
0x17e: {  	_ =	sfence.sel $0x180000  }
0x17f: {  	[bflag:$0x0] =	sbarrier.arrive $0xFFFF  }
0x180: {  	_ =	strace $0x90000047  }
0x181: {  	s0 =	stileid.u32;
	[bflag:$0x2] =	sbarrier.arrive $0xFFFF  }
0x182: {  	p0 =	sne.s32 s0, $0x0;
	s0 =	rddreg [dreg:$0x2]  }
0x183: {  	s0 =	sadd.s32 @!p0 $0x100000, s0  }
0x184: {  	[sflag:s0] =	ssyncadd.tile.s32 @!p0 $0x1;
	_ =	shalt  }
.Lfunc_end2:
_tile_overlayer_lowered:
.L_overlay_start_2:
0x185: {  	(tag) =	ssettag $0x2  }
0x186: {  	s0 =	rddreg [dreg:$0x0];
	s2 =	stileid.u32  }
0x187: {  	s1 =	rddreg [dreg:$0x1];
	p0 =	sne.s32 s2, $0x0  }
0x188: {  	s3 =	rddreg [dreg:$0x2];
	[bflag:$0x3] =	sbarrier.arrive $0xFFFF;
	s2 =	simm.s32 @!p0 $0x1C03  }
0x189: {  	[timem:s3], [sflag:s2] =	dma.local @!p0 [hbm:s0], s1  }
0x18a: {  	s0 =	simm.s32 @!p0 $0x3  }
0x18b: {  	_ =	swait.ge @!p0 [sflag:s0], s1  }
0x18c: {  	s1 =	ssub.s32 @!p0 $0x0, s1;
	[sflag:s0] =	ssyncset.done @!p0 $0x0  }
0x18d: {  	[sflag:s0] =	ssyncadd.s32 @!p0 s1  }
0x18e: {  	[bflag:$0x3] =	sbarrier.arrive $0xFFFF  }
0x18f: {  	_ =	shalt  }

</sc_bundles>
